<compile_context>
chip_gen: v7x
topology: tpu7x:2x2x1
jax: 0.10.2.dev20260603
libtpu: 0.0.44.dev20260713+nightly
codegen_flags: <defaults>
</compile_context>

<pallas_src>
import functools

import jax
import jax.numpy as jnp
from jax import lax
from jax.experimental import pallas as pl
from jax.experimental.pallas import tpu as pltpu
from jax.experimental.pallas import tpu_sc as plsc

_B, _S, _D = 1024, 200, 64
_V = 1000000
_N = _B * _S
_NC, _NS = 2, 16
_NW = _NC * _NS
_CH = 128
_CPW = _N // (_NW * _CH)
_K = 5
assert _CPW % _K == 0 and _N % (_CH * _NW) == 0

_mesh = plsc.VectorSubcoreMesh(core_axis_name="c", subcore_axis_name="s")


@functools.partial(
    pl.kernel,
    out_type=jax.ShapeDtypeStruct((_N, _D), jnp.float32),
    mesh=_mesh,
    compiler_params=pltpu.CompilerParams(
        needs_layout_passes=False, use_tc_tiling_on_sc=False
    ),
    scratch_types=[
        pltpu.VMEM((_CPW, _CH), jnp.int32),
        pltpu.VMEM((_K, _CH, 2 * _D), jnp.float32),
        pltpu.SemaphoreType.DMA,
        pltpu.SemaphoreType.DMA,
    ],
)
def _sc_gather(idx_hbm, table_hbm, out_hbm, idx_v, rows_v, gsem, osem):
    wid = lax.axis_index("s") * _NC + lax.axis_index("c")
    base = wid * _CPW
    pltpu.sync_copy(idx_hbm.at[wid], idx_v)

    @pl.loop(0, _CPW, step=_K)
    def _step(j):
        gathers = [
            pltpu.async_copy(table_hbm.at[idx_v.at[j + b]], rows_v.at[b], gsem)
            for b in range(_K)
        ]
        stores = []
        for b in range(_K):
            gathers[b].wait()
            stores.append(
                pltpu.async_copy(
                    rows_v.at[b].at[:, pl.ds(0, _D)],
                    out_hbm.at[pl.ds((base + j + b) * _CH, _CH)],
                    osem,
                )
            )
        for st in stores:
            st.wait()


def kernel(inp_ids, table):
    idx = inp_ids.T.reshape(_NW, _CPW, _CH)
    tpad = jnp.pad(table, ((0, 0), (0, 128 - _D)))
    out = _sc_gather(idx, tpad)
    return out.reshape(_S, _B, _D).transpose(1, 0, 2)

# --- scband reference (transcript-rebuilt; emitter-appended) ---
"""Pipeline reference for scband-embedding-token-idx-tracker-20349555049106 (READ-ONLY COPY).

The authoritative reference and input builder live on the scoring server;
editing this copy changes nothing except your own understanding.
"""

import jax, jax.numpy as jnp
import numpy as np

VOCAB = 1000000
EMBED_DIM = 64
BATCH = 1024
SEQ = 200


def setup_inputs(seed: int = 0) -> dict:
    key = jax.random.key(seed)
    k1, k2 = jax.random.split(key)
    inp_ids = jax.random.randint(k1, (BATCH, SEQ), 0, VOCAB, dtype=jnp.int32)
    table = jax.random.normal(k2, (VOCAB, EMBED_DIM), dtype=jnp.float32)
    return {"inp_ids": inp_ids, "table": table}


def reference(inp_ids, table):
    # Side-effect buffer from the original module: idx_tracker[:B, :L] = inp_ids
    # Reproduced functionally (value unused by the returned output, as in the original).
    tracker = jnp.zeros((2048, 2048), dtype=jnp.int32)
    tracker = tracker.at[: inp_ids.shape[0], : inp_ids.shape[1]].set(inp_ids)
    # Embedding lookup: out[b, l, :] = table[inp_ids[b, l], :]
    out = jnp.take(table, inp_ids, axis=0)
    return out

if __name__ == "__main__":
    import jax
    _d = setup_inputs()
    print(jax.jit(kernel)(*tuple(_d.values())))

</pallas_src>

<mosaic_0001>
#map = affine_map<(d0, d1) -> (0, 0, 0)>
#map1 = affine_map<(d0, d1) -> (0, 0)>
module attributes {stable_mosaic.version = 14 : i64} {
  func.func @_sc_gather(%arg0: i32, %arg1: i32, %arg2: memref<32x50x128xi32, #tpu.memory_space<hbm>>, %arg3: memref<1000000x128xf32, #tpu.memory_space<hbm>>, %arg4: memref<204800x64xf32, #tpu.memory_space<hbm>>, %arg5: memref<50x128xi32, #tpu.memory_space<vmem>>, %arg6: memref<5x128x128xf32, #tpu.memory_space<vmem>>, %arg7: memref<!tpu.dma_semaphore, #tpu.memory_space<semaphore_mem>>, %arg8: memref<!tpu.dma_semaphore, #tpu.memory_space<semaphore_mem>>) attributes {dimension_semantics = [#tpu.dimension_semantics<core_parallel>, #tpu.dimension_semantics<subcore_parallel>], iteration_bounds = array<i64: 2, 16>, scalar_prefetch = 0 : i64, scratch_operands = 4 : i64, tpu.core_type = #tpu.core_type<sc_vector_subcore>, window_params = [{transform_indices = #map}, {transform_indices = #map1}, {transform_indices = #map1}]} {
    %mul3A = arith.constant 2 : i32
    %mul3A_0 = arith.muli %arg1, %mul3A : i32
    %add3A = arith.addi %mul3A_0, %arg0 : i32
    %mul3A_1 = arith.constant 50 : i32
    %mul3A_2 = arith.muli %add3A, %mul3A_1 : i32
    "tpu.region"() ({
      %run_scoped3A = tpu.sem_alloc : memref<!tpu.dma_semaphore, #tpu.memory_space<semaphore_mem>>
      %dma_start3A = arith.constant 0 : i32
      %dma_start3A_7 = arith.constant 0 : i32
      %dma_start3A_8 = tpu.memref_slice %arg2[%add3A, %dma_start3A, %dma_start3A_7] : memref<32x50x128xi32, #tpu.memory_space<hbm>> -> memref<1x50x128xi32, #tpu.memory_space<hbm>>
      %dma_start3A_9 = tpu.memref_squeeze %dma_start3A_8 : memref<1x50x128xi32, #tpu.memory_space<hbm>> -> memref<50x128xi32, #tpu.memory_space<hbm>>
      %dma_start3A_10 = arith.constant 0 : i32
      %dma_start3A_11 = arith.constant 0 : i32
      %dma_start3A_12 = tpu.memref_slice %arg2[%add3A, %dma_start3A_10, %dma_start3A_11] : memref<32x50x128xi32, #tpu.memory_space<hbm>> -> memref<1x50x128xi32, #tpu.memory_space<hbm>>
      %dma_start3A_13 = tpu.memref_squeeze %dma_start3A_12 : memref<1x50x128xi32, #tpu.memory_space<hbm>> -> memref<50x128xi32, #tpu.memory_space<hbm>>
      tpu.enqueue_dma source(%dma_start3A_13 : memref<50x128xi32, #tpu.memory_space<hbm>>) target(%arg5 : memref<50x128xi32, #tpu.memory_space<vmem>>) target_semaphore(%run_scoped3A : memref<!tpu.dma_semaphore, #tpu.memory_space<semaphore_mem>>)
      %dma_wait3A = arith.constant 0 : i32
      %dma_wait3A_14 = arith.constant 0 : i32
      %dma_wait3A_15 = tpu.memref_slice %arg2[%add3A, %dma_wait3A, %dma_wait3A_14] : memref<32x50x128xi32, #tpu.memory_space<hbm>> -> memref<1x50x128xi32, #tpu.memory_space<hbm>>
      %dma_wait3A_16 = tpu.memref_squeeze %dma_wait3A_15 : memref<1x50x128xi32, #tpu.memory_space<hbm>> -> memref<50x128xi32, #tpu.memory_space<hbm>>
      %dma_wait3A_17 = arith.constant 0 : i32
      %dma_wait3A_18 = arith.constant 0 : i32
      %dma_wait3A_19 = tpu.memref_slice %arg2[%add3A, %dma_wait3A_17, %dma_wait3A_18] : memref<32x50x128xi32, #tpu.memory_space<hbm>> -> memref<1x50x128xi32, #tpu.memory_space<hbm>>
      %dma_wait3A_20 = tpu.memref_squeeze %dma_wait3A_19 : memref<1x50x128xi32, #tpu.memory_space<hbm>> -> memref<50x128xi32, #tpu.memory_space<hbm>>
      tpu.wait_dma2 semaphore(%run_scoped3A : memref<!tpu.dma_semaphore, #tpu.memory_space<semaphore_mem>>) src(%dma_wait3A_20 : memref<50x128xi32, #tpu.memory_space<hbm>>) dst(%arg5 : memref<50x128xi32, #tpu.memory_space<vmem>>)
      tpu.yield
    }) : () -> ()
    %scan3A = arith.constant 0 : i32
    %scan3A_3 = arith.constant 10 : i32
    %scan3A_4 = arith.addi %scan3A, %scan3A_3 : i32
    %scan3A_5 = arith.constant 1 : i32
    scf.for %scan3A_7 = %scan3A to %scan3A_4 step %scan3A_5  : i32 {
      %mul3A_8 = arith.constant 5 : i32
      %mul3A_9 = arith.muli %scan3A_7, %mul3A_8 : i32
      %add3A_10 = arith.constant 0 : i32
      %add3A_11 = arith.addi %add3A_10, %mul3A_9 : i32
      %add3A_12 = arith.constant 0 : i32
      %add3A_13 = arith.addi %add3A_11, %add3A_12 : i32
      %dma_start3A = arith.constant 0 : i32
      %dma_start3A_14 = arith.constant 0 : i32
      %dma_start3A_15 = arith.constant 0 : i32
      %dma_start3A_16 = tpu.memref_slice %arg6[%dma_start3A, %dma_start3A_14, %dma_start3A_15] : memref<5x128x128xf32, #tpu.memory_space<vmem>> -> memref<1x128x128xf32, #tpu.memory_space<vmem>>
      %dma_start3A_17 = tpu.memref_squeeze %dma_start3A_16 : memref<1x128x128xf32, #tpu.memory_space<vmem>> -> memref<128x128xf32, #tpu.memory_space<vmem>>
      %dma_start3A_18 = arith.constant 0 : i32
      %dma_start3A_19 = tpu.memref_slice %arg5[%add3A_13, %dma_start3A_18] : memref<50x128xi32, #tpu.memory_space<vmem>> -> memref<1x128xi32, #tpu.memory_space<vmem>>
      %dma_start3A_20 = tpu.memref_squeeze %dma_start3A_19 : memref<1x128xi32, #tpu.memory_space<vmem>> -> memref<128xi32, #tpu.memory_space<vmem>>
      %dma_start3A_21 = arith.constant 0 : i32
      %dma_start3A_22 = arith.constant 0 : i32
      %dma_start3A_23 = tpu.memref_slice %arg3[%dma_start3A_21, %dma_start3A_22] : memref<1000000x128xf32, #tpu.memory_space<hbm>> -> memref<1000000x128xf32, #tpu.memory_space<hbm>>
      tpu.enqueue_indirect_dma source(%dma_start3A_23 : memref<1000000x128xf32, #tpu.memory_space<hbm>>) target(%dma_start3A_17 : memref<128x128xf32, #tpu.memory_space<vmem>>) offsets(%dma_start3A_20 : memref<128xi32, #tpu.memory_space<vmem>>) semaphore(%arg7 : memref<!tpu.dma_semaphore, #tpu.memory_space<semaphore_mem>>)
      %add3A_24 = arith.constant 1 : i32
      %add3A_25 = arith.addi %add3A_11, %add3A_24 : i32
      %dma_start3A_26 = arith.constant 1 : i32
      %dma_start3A_27 = arith.constant 0 : i32
      %dma_start3A_28 = arith.constant 0 : i32
      %dma_start3A_29 = tpu.memref_slice %arg6[%dma_start3A_26, %dma_start3A_27, %dma_start3A_28] : memref<5x128x128xf32, #tpu.memory_space<vmem>> -> memref<1x128x128xf32, #tpu.memory_space<vmem>>
      %dma_start3A_30 = tpu.memref_squeeze %dma_start3A_29 : memref<1x128x128xf32, #tpu.memory_space<vmem>> -> memref<128x128xf32, #tpu.memory_space<vmem>>
      %dma_start3A_31 = arith.constant 0 : i32
      %dma_start3A_32 = tpu.memref_slice %arg5[%add3A_25, %dma_start3A_31] : memref<50x128xi32, #tpu.memory_space<vmem>> -> memref<1x128xi32, #tpu.memory_space<vmem>>
      %dma_start3A_33 = tpu.memref_squeeze %dma_start3A_32 : memref<1x128xi32, #tpu.memory_space<vmem>> -> memref<128xi32, #tpu.memory_space<vmem>>
      %dma_start3A_34 = arith.constant 0 : i32
      %dma_start3A_35 = arith.constant 0 : i32
      %dma_start3A_36 = tpu.memref_slice %arg3[%dma_start3A_34, %dma_start3A_35] : memref<1000000x128xf32, #tpu.memory_space<hbm>> -> memref<1000000x128xf32, #tpu.memory_space<hbm>>
      tpu.enqueue_indirect_dma source(%dma_start3A_36 : memref<1000000x128xf32, #tpu.memory_space<hbm>>) target(%dma_start3A_30 : memref<128x128xf32, #tpu.memory_space<vmem>>) offsets(%dma_start3A_33 : memref<128xi32, #tpu.memory_space<vmem>>) semaphore(%arg7 : memref<!tpu.dma_semaphore, #tpu.memory_space<semaphore_mem>>)
      %add3A_37 = arith.constant 2 : i32
      %add3A_38 = arith.addi %add3A_11, %add3A_37 : i32
      %dma_start3A_39 = arith.constant 2 : i32
      %dma_start3A_40 = arith.constant 0 : i32
      %dma_start3A_41 = arith.constant 0 : i32
      %dma_start3A_42 = tpu.memref_slice %arg6[%dma_start3A_39, %dma_start3A_40, %dma_start3A_41] : memref<5x128x128xf32, #tpu.memory_space<vmem>> -> memref<1x128x128xf32, #tpu.memory_space<vmem>>
      %dma_start3A_43 = tpu.memref_squeeze %dma_start3A_42 : memref<1x128x128xf32, #tpu.memory_space<vmem>> -> memref<128x128xf32, #tpu.memory_space<vmem>>
      %dma_start3A_44 = arith.constant 0 : i32
      %dma_start3A_45 = tpu.memref_slice %arg5[%add3A_38, %dma_start3A_44] : memref<50x128xi32, #tpu.memory_space<vmem>> -> memref<1x128xi32, #tpu.memory_space<vmem>>
      %dma_start3A_46 = tpu.memref_squeeze %dma_start3A_45 : memref<1x128xi32, #tpu.memory_space<vmem>> -> memref<128xi32, #tpu.memory_space<vmem>>
      %dma_start3A_47 = arith.constant 0 : i32
      %dma_start3A_48 = arith.constant 0 : i32
      %dma_start3A_49 = tpu.memref_slice %arg3[%dma_start3A_47, %dma_start3A_48] : memref<1000000x128xf32, #tpu.memory_space<hbm>> -> memref<1000000x128xf32, #tpu.memory_space<hbm>>
      tpu.enqueue_indirect_dma source(%dma_start3A_49 : memref<1000000x128xf32, #tpu.memory_space<hbm>>) target(%dma_start3A_43 : memref<128x128xf32, #tpu.memory_space<vmem>>) offsets(%dma_start3A_46 : memref<128xi32, #tpu.memory_space<vmem>>) semaphore(%arg7 : memref<!tpu.dma_semaphore, #tpu.memory_space<semaphore_mem>>)
      %add3A_50 = arith.constant 3 : i32
      %add3A_51 = arith.addi %add3A_11, %add3A_50 : i32
      %dma_start3A_52 = arith.constant 3 : i32
      %dma_start3A_53 = arith.constant 0 : i32
      %dma_start3A_54 = arith.constant 0 : i32
      %dma_start3A_55 = tpu.memref_slice %arg6[%dma_start3A_52, %dma_start3A_53, %dma_start3A_54] : memref<5x128x128xf32, #tpu.memory_space<vmem>> -> memref<1x128x128xf32, #tpu.memory_space<vmem>>
      %dma_start3A_56 = tpu.memref_squeeze %dma_start3A_55 : memref<1x128x128xf32, #tpu.memory_space<vmem>> -> memref<128x128xf32, #tpu.memory_space<vmem>>
      %dma_start3A_57 = arith.constant 0 : i32
      %dma_start3A_58 = tpu.memref_slice %arg5[%add3A_51, %dma_start3A_57] : memref<50x128xi32, #tpu.memory_space<vmem>> -> memref<1x128xi32, #tpu.memory_space<vmem>>
      %dma_start3A_59 = tpu.memref_squeeze %dma_start3A_58 : memref<1x128xi32, #tpu.memory_space<vmem>> -> memref<128xi32, #tpu.memory_space<vmem>>
      %dma_start3A_60 = arith.constant 0 : i32
      %dma_start3A_61 = arith.constant 0 : i32
      %dma_start3A_62 = tpu.memref_slice %arg3[%dma_start3A_60, %dma_start3A_61] : memref<1000000x128xf32, #tpu.memory_space<hbm>> -> memref<1000000x128xf32, #tpu.memory_space<hbm>>
      tpu.enqueue_indirect_dma source(%dma_start3A_62 : memref<1000000x128xf32, #tpu.memory_space<hbm>>) target(%dma_start3A_56 : memref<128x128xf32, #tpu.memory_space<vmem>>) offsets(%dma_start3A_59 : memref<128xi32, #tpu.memory_space<vmem>>) semaphore(%arg7 : memref<!tpu.dma_semaphore, #tpu.memory_space<semaphore_mem>>)
      %add3A_63 = arith.constant 4 : i32
      %add3A_64 = arith.addi %add3A_11, %add3A_63 : i32
      %dma_start3A_65 = arith.constant 4 : i32
      %dma_start3A_66 = arith.constant 0 : i32
      %dma_start3A_67 = arith.constant 0 : i32
      %dma_start3A_68 = tpu.memref_slice %arg6[%dma_start3A_65, %dma_start3A_66, %dma_start3A_67] : memref<5x128x128xf32, #tpu.memory_space<vmem>> -> memref<1x128x128xf32, #tpu.memory_space<vmem>>
      %dma_start3A_69 = tpu.memref_squeeze %dma_start3A_68 : memref<1x128x128xf32, #tpu.memory_space<vmem>> -> memref<128x128xf32, #tpu.memory_space<vmem>>
      %dma_start3A_70 = arith.constant 0 : i32
      %dma_start3A_71 = tpu.memref_slice %arg5[%add3A_64, %dma_start3A_70] : memref<50x128xi32, #tpu.memory_space<vmem>> -> memref<1x128xi32, #tpu.memory_space<vmem>>
      %dma_start3A_72 = tpu.memref_squeeze %dma_start3A_71 : memref<1x128xi32, #tpu.memory_space<vmem>> -> memref<128xi32, #tpu.memory_space<vmem>>
      %dma_start3A_73 = arith.constant 0 : i32
      %dma_start3A_74 = arith.constant 0 : i32
      %dma_start3A_75 = tpu.memref_slice %arg3[%dma_start3A_73, %dma_start3A_74] : memref<1000000x128xf32, #tpu.memory_space<hbm>> -> memref<1000000x128xf32, #tpu.memory_space<hbm>>
      tpu.enqueue_indirect_dma source(%dma_start3A_75 : memref<1000000x128xf32, #tpu.memory_space<hbm>>) target(%dma_start3A_69 : memref<128x128xf32, #tpu.memory_space<vmem>>) offsets(%dma_start3A_72 : memref<128xi32, #tpu.memory_space<vmem>>) semaphore(%arg7 : memref<!tpu.dma_semaphore, #tpu.memory_space<semaphore_mem>>)
      %dma_wait3A = arith.constant 0 : i32
      %dma_wait3A_76 = arith.constant 0 : i32
      %dma_wait3A_77 = arith.constant 0 : i32
      %dma_wait3A_78 = tpu.memref_slice %arg6[%dma_wait3A, %dma_wait3A_76, %dma_wait3A_77] : memref<5x128x128xf32, #tpu.memory_space<vmem>> -> memref<1x128x128xf32, #tpu.memory_space<vmem>>
      %dma_wait3A_79 = tpu.memref_squeeze %dma_wait3A_78 : memref<1x128x128xf32, #tpu.memory_space<vmem>> -> memref<128x128xf32, #tpu.memory_space<vmem>>
      %dma_wait3A_80 = arith.constant 0 : i32
      %dma_wait3A_81 = tpu.memref_slice %arg5[%add3A_13, %dma_wait3A_80] : memref<50x128xi32, #tpu.memory_space<vmem>> -> memref<1x128xi32, #tpu.memory_space<vmem>>
      %dma_wait3A_82 = tpu.memref_squeeze %dma_wait3A_81 : memref<1x128xi32, #tpu.memory_space<vmem>> -> memref<128xi32, #tpu.memory_space<vmem>>
      %dma_wait3A_83 = arith.constant 0 : i32
      %dma_wait3A_84 = arith.constant 0 : i32
      %dma_wait3A_85 = tpu.memref_slice %arg3[%dma_wait3A_83, %dma_wait3A_84] : memref<1000000x128xf32, #tpu.memory_space<hbm>> -> memref<1000000x128xf32, #tpu.memory_space<hbm>>
      tpu.wait_indirect_dma semaphore(%arg7 : memref<!tpu.dma_semaphore, #tpu.memory_space<semaphore_mem>>) src(%dma_wait3A_85 : memref<1000000x128xf32, #tpu.memory_space<hbm>>) dst(%dma_wait3A_79 : memref<128x128xf32, #tpu.memory_space<vmem>>)
      %add3A_86 = arith.addi %mul3A_2, %add3A_11 : i32
      %add3A_87 = arith.constant 0 : i32
      %add3A_88 = arith.addi %add3A_86, %add3A_87 : i32
      %mul3A_89 = arith.constant 128 : i32
      %mul3A_90 = arith.muli %add3A_88, %mul3A_89 : i32
      %dma_start3A_91 = arith.constant 0 : i32
      %dma_start3A_92 = arith.constant 0 : i32
      %dma_start3A_93 = arith.constant 0 : i32
      %dma_start3A_94 = tpu.memref_slice %arg6[%dma_start3A_91, %dma_start3A_92, %dma_start3A_93] : memref<5x128x128xf32, #tpu.memory_space<vmem>> -> memref<1x128x128xf32, #tpu.memory_space<vmem>>
      %dma_start3A_95 = tpu.memref_squeeze %dma_start3A_94 : memref<1x128x128xf32, #tpu.memory_space<vmem>> -> memref<128x128xf32, #tpu.memory_space<vmem>>
      %dma_start3A_96 = arith.constant 0 : i32
      %dma_start3A_97 = arith.constant 0 : i32
      %dma_start3A_98 = tpu.memref_slice %dma_start3A_95[%dma_start3A_96, %dma_start3A_97] : memref<128x128xf32, #tpu.memory_space<vmem>> -> memref<128x64xf32, #tpu.memory_space<vmem>>
      %dma_start3A_99 = arith.constant 0 : i32
      %dma_start3A_100 = tpu.memref_slice %arg4[%mul3A_90, %dma_start3A_99] : memref<204800x64xf32, #tpu.memory_space<hbm>> -> memref<128x64xf32, #tpu.memory_space<hbm>>
      %dma_start3A_101 = arith.constant 0 : i32
      %dma_start3A_102 = tpu.memref_slice %arg4[%mul3A_90, %dma_start3A_101] : memref<204800x64xf32, #tpu.memory_space<hbm>> -> memref<128x64xf32, #tpu.memory_space<hbm>>
      %dma_start3A_103 = arith.constant 0 : i32
      %dma_start3A_104 = arith.constant 0 : i32
      %dma_start3A_105 = tpu.memref_slice %arg6[%dma_start3A_91, %dma_start3A_103, %dma_start3A_104] : memref<5x128x128xf32, #tpu.memory_space<vmem>> -> memref<1x128x128xf32, #tpu.memory_space<vmem>>
      %dma_start3A_106 = tpu.memref_squeeze %dma_start3A_105 : memref<1x128x128xf32, #tpu.memory_space<vmem>> -> memref<128x128xf32, #tpu.memory_space<vmem>>
      %dma_start3A_107 = arith.constant 0 : i32
      %dma_start3A_108 = arith.constant 0 : i32
      %dma_start3A_109 = tpu.memref_slice %dma_start3A_106[%dma_start3A_107, %dma_start3A_108] : memref<128x128xf32, #tpu.memory_space<vmem>> -> memref<128x64xf32, #tpu.memory_space<vmem>>
      tpu.enqueue_dma source(%dma_start3A_109 : memref<128x64xf32, #tpu.memory_space<vmem>>) target(%dma_start3A_102 : memref<128x64xf32, #tpu.memory_space<hbm>>) target_semaphore(%arg8 : memref<!tpu.dma_semaphore, #tpu.memory_space<semaphore_mem>>)
      %dma_wait3A_110 = arith.constant 1 : i32
      %dma_wait3A_111 = arith.constant 0 : i32
      %dma_wait3A_112 = arith.constant 0 : i32
      %dma_wait3A_113 = tpu.memref_slice %arg6[%dma_wait3A_110, %dma_wait3A_111, %dma_wait3A_112] : memref<5x128x128xf32, #tpu.memory_space<vmem>> -> memref<1x128x128xf32, #tpu.memory_space<vmem>>
      %dma_wait3A_114 = tpu.memref_squeeze %dma_wait3A_113 : memref<1x128x128xf32, #tpu.memory_space<vmem>> -> memref<128x128xf32, #tpu.memory_space<vmem>>
      %dma_wait3A_115 = arith.constant 0 : i32
      %dma_wait3A_116 = tpu.memref_slice %arg5[%add3A_25, %dma_wait3A_115] : memref<50x128xi32, #tpu.memory_space<vmem>> -> memref<1x128xi32, #tpu.memory_space<vmem>>
      %dma_wait3A_117 = tpu.memref_squeeze %dma_wait3A_116 : memref<1x128xi32, #tpu.memory_space<vmem>> -> memref<128xi32, #tpu.memory_space<vmem>>
      %dma_wait3A_118 = arith.constant 0 : i32
      %dma_wait3A_119 = arith.constant 0 : i32
      %dma_wait3A_120 = tpu.memref_slice %arg3[%dma_wait3A_118, %dma_wait3A_119] : memref<1000000x128xf32, #tpu.memory_space<hbm>> -> memref<1000000x128xf32, #tpu.memory_space<hbm>>
      tpu.wait_indirect_dma semaphore(%arg7 : memref<!tpu.dma_semaphore, #tpu.memory_space<semaphore_mem>>) src(%dma_wait3A_120 : memref<1000000x128xf32, #tpu.memory_space<hbm>>) dst(%dma_wait3A_114 : memref<128x128xf32, #tpu.memory_space<vmem>>)
      %add3A_121 = arith.addi %mul3A_2, %add3A_11 : i32
      %add3A_122 = arith.constant 1 : i32
      %add3A_123 = arith.addi %add3A_121, %add3A_122 : i32
      %mul3A_124 = arith.constant 128 : i32
      %mul3A_125 = arith.muli %add3A_123, %mul3A_124 : i32
      %dma_start3A_126 = arith.constant 1 : i32
      %dma_start3A_127 = arith.constant 0 : i32
      %dma_start3A_128 = arith.constant 0 : i32
      %dma_start3A_129 = tpu.memref_slice %arg6[%dma_start3A_126, %dma_start3A_127, %dma_start3A_128] : memref<5x128x128xf32, #tpu.memory_space<vmem>> -> memref<1x128x128xf32, #tpu.memory_space<vmem>>
      %dma_start3A_130 = tpu.memref_squeeze %dma_start3A_129 : memref<1x128x128xf32, #tpu.memory_space<vmem>> -> memref<128x128xf32, #tpu.memory_space<vmem>>
      %dma_start3A_131 = arith.constant 0 : i32
      %dma_start3A_132 = arith.constant 0 : i32
      %dma_start3A_133 = tpu.memref_slice %dma_start3A_130[%dma_start3A_131, %dma_start3A_132] : memref<128x128xf32, #tpu.memory_space<vmem>> -> memref<128x64xf32, #tpu.memory_space<vmem>>
      %dma_start3A_134 = arith.constant 0 : i32
      %dma_start3A_135 = tpu.memref_slice %arg4[%mul3A_125, %dma_start3A_134] : memref<204800x64xf32, #tpu.memory_space<hbm>> -> memref<128x64xf32, #tpu.memory_space<hbm>>
      %dma_start3A_136 = arith.constant 0 : i32
      %dma_start3A_137 = tpu.memref_slice %arg4[%mul3A_125, %dma_start3A_136] : memref<204800x64xf32, #tpu.memory_space<hbm>> -> memref<128x64xf32, #tpu.memory_space<hbm>>
      %dma_start3A_138 = arith.constant 0 : i32
      %dma_start3A_139 = arith.constant 0 : i32
      %dma_start3A_140 = tpu.memref_slice %arg6[%dma_start3A_126, %dma_start3A_138, %dma_start3A_139] : memref<5x128x128xf32, #tpu.memory_space<vmem>> -> memref<1x128x128xf32, #tpu.memory_space<vmem>>
      %dma_start3A_141 = tpu.memref_squeeze %dma_start3A_140 : memref<1x128x128xf32, #tpu.memory_space<vmem>> -> memref<128x128xf32, #tpu.memory_space<vmem>>
      %dma_start3A_142 = arith.constant 0 : i32
      %dma_start3A_143 = arith.constant 0 : i32
      %dma_start3A_144 = tpu.memref_slice %dma_start3A_141[%dma_start3A_142, %dma_start3A_143] : memref<128x128xf32, #tpu.memory_space<vmem>> -> memref<128x64xf32, #tpu.memory_space<vmem>>
      tpu.enqueue_dma source(%dma_start3A_144 : memref<128x64xf32, #tpu.memory_space<vmem>>) target(%dma_start3A_137 : memref<128x64xf32, #tpu.memory_space<hbm>>) target_semaphore(%arg8 : memref<!tpu.dma_semaphore, #tpu.memory_space<semaphore_mem>>)
      %dma_wait3A_145 = arith.constant 2 : i32
      %dma_wait3A_146 = arith.constant 0 : i32
      %dma_wait3A_147 = arith.constant 0 : i32
      %dma_wait3A_148 = tpu.memref_slice %arg6[%dma_wait3A_145, %dma_wait3A_146, %dma_wait3A_147] : memref<5x128x128xf32, #tpu.memory_space<vmem>> -> memref<1x128x128xf32, #tpu.memory_space<vmem>>
      %dma_wait3A_149 = tpu.memref_squeeze %dma_wait3A_148 : memref<1x128x128xf32, #tpu.memory_space<vmem>> -> memref<128x128xf32, #tpu.memory_space<vmem>>
      %dma_wait3A_150 = arith.constant 0 : i32
      %dma_wait3A_151 = tpu.memref_slice %arg5[%add3A_38, %dma_wait3A_150] : memref<50x128xi32, #tpu.memory_space<vmem>> -> memref<1x128xi32, #tpu.memory_space<vmem>>
      %dma_wait3A_152 = tpu.memref_squeeze %dma_wait3A_151 : memref<1x128xi32, #tpu.memory_space<vmem>> -> memref<128xi32, #tpu.memory_space<vmem>>
      %dma_wait3A_153 = arith.constant 0 : i32
      %dma_wait3A_154 = arith.constant 0 : i32
      %dma_wait3A_155 = tpu.memref_slice %arg3[%dma_wait3A_153, %dma_wait3A_154] : memref<1000000x128xf32, #tpu.memory_space<hbm>> -> memref<1000000x128xf32, #tpu.memory_space<hbm>>
      tpu.wait_indirect_dma semaphore(%arg7 : memref<!tpu.dma_semaphore, #tpu.memory_space<semaphore_mem>>) src(%dma_wait3A_155 : memref<1000000x128xf32, #tpu.memory_space<hbm>>) dst(%dma_wait3A_149 : memref<128x128xf32, #tpu.memory_space<vmem>>)
      %add3A_156 = arith.addi %mul3A_2, %add3A_11 : i32
      %add3A_157 = arith.constant 2 : i32
      %add3A_158 = arith.addi %add3A_156, %add3A_157 : i32
      %mul3A_159 = arith.constant 128 : i32
      %mul3A_160 = arith.muli %add3A_158, %mul3A_159 : i32
      %dma_start3A_161 = arith.constant 2 : i32
      %dma_start3A_162 = arith.constant 0 : i32
      %dma_start3A_163 = arith.constant 0 : i32
      %dma_start3A_164 = tpu.memref_slice %arg6[%dma_start3A_161, %dma_start3A_162, %dma_start3A_163] : memref<5x128x128xf32, #tpu.memory_space<vmem>> -> memref<1x128x128xf32, #tpu.memory_space<vmem>>
      %dma_start3A_165 = tpu.memref_squeeze %dma_start3A_164 : memref<1x128x128xf32, #tpu.memory_space<vmem>> -> memref<128x128xf32, #tpu.memory_space<vmem>>
      %dma_start3A_166 = arith.constant 0 : i32
      %dma_start3A_167 = arith.constant 0 : i32
      %dma_start3A_168 = tpu.memref_slice %dma_start3A_165[%dma_start3A_166, %dma_start3A_167] : memref<128x128xf32, #tpu.memory_space<vmem>> -> memref<128x64xf32, #tpu.memory_space<vmem>>
      %dma_start3A_169 = arith.constant 0 : i32
      %dma_start3A_170 = tpu.memref_slice %arg4[%mul3A_160, %dma_start3A_169] : memref<204800x64xf32, #tpu.memory_space<hbm>> -> memref<128x64xf32, #tpu.memory_space<hbm>>
      %dma_start3A_171 = arith.constant 0 : i32
      %dma_start3A_172 = tpu.memref_slice %arg4[%mul3A_160, %dma_start3A_171] : memref<204800x64xf32, #tpu.memory_space<hbm>> -> memref<128x64xf32, #tpu.memory_space<hbm>>
      %dma_start3A_173 = arith.constant 0 : i32
      %dma_start3A_174 = arith.constant 0 : i32
      %dma_start3A_175 = tpu.memref_slice %arg6[%dma_start3A_161, %dma_start3A_173, %dma_start3A_174] : memref<5x128x128xf32, #tpu.memory_space<vmem>> -> memref<1x128x128xf32, #tpu.memory_space<vmem>>
      %dma_start3A_176 = tpu.memref_squeeze %dma_start3A_175 : memref<1x128x128xf32, #tpu.memory_space<vmem>> -> memref<128x128xf32, #tpu.memory_space<vmem>>
      %dma_start3A_177 = arith.constant 0 : i32
      %dma_start3A_178 = arith.constant 0 : i32
      %dma_start3A_179 = tpu.memref_slice %dma_start3A_176[%dma_start3A_177, %dma_start3A_178] : memref<128x128xf32, #tpu.memory_space<vmem>> -> memref<128x64xf32, #tpu.memory_space<vmem>>
      tpu.enqueue_dma source(%dma_start3A_179 : memref<128x64xf32, #tpu.memory_space<vmem>>) target(%dma_start3A_172 : memref<128x64xf32, #tpu.memory_space<hbm>>) target_semaphore(%arg8 : memref<!tpu.dma_semaphore, #tpu.memory_space<semaphore_mem>>)
      %dma_wait3A_180 = arith.constant 3 : i32
      %dma_wait3A_181 = arith.constant 0 : i32
      %dma_wait3A_182 = arith.constant 0 : i32
      %dma_wait3A_183 = tpu.memref_slice %arg6[%dma_wait3A_180, %dma_wait3A_181, %dma_wait3A_182] : memref<5x128x128xf32, #tpu.memory_space<vmem>> -> memref<1x128x128xf32, #tpu.memory_space<vmem>>
      %dma_wait3A_184 = tpu.memref_squeeze %dma_wait3A_183 : memref<1x128x128xf32, #tpu.memory_space<vmem>> -> memref<128x128xf32, #tpu.memory_space<vmem>>
      %dma_wait3A_185 = arith.constant 0 : i32
      %dma_wait3A_186 = tpu.memref_slice %arg5[%add3A_51, %dma_wait3A_185] : memref<50x128xi32, #tpu.memory_space<vmem>> -> memref<1x128xi32, #tpu.memory_space<vmem>>
      %dma_wait3A_187 = tpu.memref_squeeze %dma_wait3A_186 : memref<1x128xi32, #tpu.memory_space<vmem>> -> memref<128xi32, #tpu.memory_space<vmem>>
      %dma_wait3A_188 = arith.constant 0 : i32
      %dma_wait3A_189 = arith.constant 0 : i32
      %dma_wait3A_190 = tpu.memref_slice %arg3[%dma_wait3A_188, %dma_wait3A_189] : memref<1000000x128xf32, #tpu.memory_space<hbm>> -> memref<1000000x128xf32, #tpu.memory_space<hbm>>
      tpu.wait_indirect_dma semaphore(%arg7 : memref<!tpu.dma_semaphore, #tpu.memory_space<semaphore_mem>>) src(%dma_wait3A_190 : memref<1000000x128xf32, #tpu.memory_space<hbm>>) dst(%dma_wait3A_184 : memref<128x128xf32, #tpu.memory_space<vmem>>)
      %add3A_191 = arith.addi %mul3A_2, %add3A_11 : i32
      %add3A_192 = arith.constant 3 : i32
      %add3A_193 = arith.addi %add3A_191, %add3A_192 : i32
      %mul3A_194 = arith.constant 128 : i32
      %mul3A_195 = arith.muli %add3A_193, %mul3A_194 : i32
      %dma_start3A_196 = arith.constant 3 : i32
      %dma_start3A_197 = arith.constant 0 : i32
      %dma_start3A_198 = arith.constant 0 : i32
      %dma_start3A_199 = tpu.memref_slice %arg6[%dma_start3A_196, %dma_start3A_197, %dma_start3A_198] : memref<5x128x128xf32, #tpu.memory_space<vmem>> -> memref<1x128x128xf32, #tpu.memory_space<vmem>>
      %dma_start3A_200 = tpu.memref_squeeze %dma_start3A_199 : memref<1x128x128xf32, #tpu.memory_space<vmem>> -> memref<128x128xf32, #tpu.memory_space<vmem>>
      %dma_start3A_201 = arith.constant 0 : i32
      %dma_start3A_202 = arith.constant 0 : i32
      %dma_start3A_203 = tpu.memref_slice %dma_start3A_200[%dma_start3A_201, %dma_start3A_202] : memref<128x128xf32, #tpu.memory_space<vmem>> -> memref<128x64xf32, #tpu.memory_space<vmem>>
      %dma_start3A_204 = arith.constant 0 : i32
      %dma_start3A_205 = tpu.memref_slice %arg4[%mul3A_195, %dma_start3A_204] : memref<204800x64xf32, #tpu.memory_space<hbm>> -> memref<128x64xf32, #tpu.memory_space<hbm>>
      %dma_start3A_206 = arith.constant 0 : i32
      %dma_start3A_207 = tpu.memref_slice %arg4[%mul3A_195, %dma_start3A_206] : memref<204800x64xf32, #tpu.memory_space<hbm>> -> memref<128x64xf32, #tpu.memory_space<hbm>>
      %dma_start3A_208 = arith.constant 0 : i32
      %dma_start3A_209 = arith.constant 0 : i32
      %dma_start3A_210 = tpu.memref_slice %arg6[%dma_start3A_196, %dma_start3A_208, %dma_start3A_209] : memref<5x128x128xf32, #tpu.memory_space<vmem>> -> memref<1x128x128xf32, #tpu.memory_space<vmem>>
      %dma_start3A_211 = tpu.memref_squeeze %dma_start3A_210 : memref<1x128x128xf32, #tpu.memory_space<vmem>> -> memref<128x128xf32, #tpu.memory_space<vmem>>
      %dma_start3A_212 = arith.constant 0 : i32
      %dma_start3A_213 = arith.constant 0 : i32
      %dma_start3A_214 = tpu.memref_slice %dma_start3A_211[%dma_start3A_212, %dma_start3A_213] : memref<128x128xf32, #tpu.memory_space<vmem>> -> memref<128x64xf32, #tpu.memory_space<vmem>>
      tpu.enqueue_dma source(%dma_start3A_214 : memref<128x64xf32, #tpu.memory_space<vmem>>) target(%dma_start3A_207 : memref<128x64xf32, #tpu.memory_space<hbm>>) target_semaphore(%arg8 : memref<!tpu.dma_semaphore, #tpu.memory_space<semaphore_mem>>)
      %dma_wait3A_215 = arith.constant 4 : i32
      %dma_wait3A_216 = arith.constant 0 : i32
      %dma_wait3A_217 = arith.constant 0 : i32
      %dma_wait3A_218 = tpu.memref_slice %arg6[%dma_wait3A_215, %dma_wait3A_216, %dma_wait3A_217] : memref<5x128x128xf32, #tpu.memory_space<vmem>> -> memref<1x128x128xf32, #tpu.memory_space<vmem>>
      %dma_wait3A_219 = tpu.memref_squeeze %dma_wait3A_218 : memref<1x128x128xf32, #tpu.memory_space<vmem>> -> memref<128x128xf32, #tpu.memory_space<vmem>>
      %dma_wait3A_220 = arith.constant 0 : i32
      %dma_wait3A_221 = tpu.memref_slice %arg5[%add3A_64, %dma_wait3A_220] : memref<50x128xi32, #tpu.memory_space<vmem>> -> memref<1x128xi32, #tpu.memory_space<vmem>>
      %dma_wait3A_222 = tpu.memref_squeeze %dma_wait3A_221 : memref<1x128xi32, #tpu.memory_space<vmem>> -> memref<128xi32, #tpu.memory_space<vmem>>
      %dma_wait3A_223 = arith.constant 0 : i32
      %dma_wait3A_224 = arith.constant 0 : i32
      %dma_wait3A_225 = tpu.memref_slice %arg3[%dma_wait3A_223, %dma_wait3A_224] : memref<1000000x128xf32, #tpu.memory_space<hbm>> -> memref<1000000x128xf32, #tpu.memory_space<hbm>>
      tpu.wait_indirect_dma semaphore(%arg7 : memref<!tpu.dma_semaphore, #tpu.memory_space<semaphore_mem>>) src(%dma_wait3A_225 : memref<1000000x128xf32, #tpu.memory_space<hbm>>) dst(%dma_wait3A_219 : memref<128x128xf32, #tpu.memory_space<vmem>>)
      %add3A_226 = arith.addi %mul3A_2, %add3A_11 : i32
      %add3A_227 = arith.constant 4 : i32
      %add3A_228 = arith.addi %add3A_226, %add3A_227 : i32
      %mul3A_229 = arith.constant 128 : i32
      %mul3A_230 = arith.muli %add3A_228, %mul3A_229 : i32
      %dma_start3A_231 = arith.constant 4 : i32
      %dma_start3A_232 = arith.constant 0 : i32
      %dma_start3A_233 = arith.constant 0 : i32
      %dma_start3A_234 = tpu.memref_slice %arg6[%dma_start3A_231, %dma_start3A_232, %dma_start3A_233] : memref<5x128x128xf32, #tpu.memory_space<vmem>> -> memref<1x128x128xf32, #tpu.memory_space<vmem>>
      %dma_start3A_235 = tpu.memref_squeeze %dma_start3A_234 : memref<1x128x128xf32, #tpu.memory_space<vmem>> -> memref<128x128xf32, #tpu.memory_space<vmem>>
      %dma_start3A_236 = arith.constant 0 : i32
      %dma_start3A_237 = arith.constant 0 : i32
      %dma_start3A_238 = tpu.memref_slice %dma_start3A_235[%dma_start3A_236, %dma_start3A_237] : memref<128x128xf32, #tpu.memory_space<vmem>> -> memref<128x64xf32, #tpu.memory_space<vmem>>
      %dma_start3A_239 = arith.constant 0 : i32
      %dma_start3A_240 = tpu.memref_slice %arg4[%mul3A_230, %dma_start3A_239] : memref<204800x64xf32, #tpu.memory_space<hbm>> -> memref<128x64xf32, #tpu.memory_space<hbm>>
      %dma_start3A_241 = arith.constant 0 : i32
      %dma_start3A_242 = tpu.memref_slice %arg4[%mul3A_230, %dma_start3A_241] : memref<204800x64xf32, #tpu.memory_space<hbm>> -> memref<128x64xf32, #tpu.memory_space<hbm>>
      %dma_start3A_243 = arith.constant 0 : i32
      %dma_start3A_244 = arith.constant 0 : i32
      %dma_start3A_245 = tpu.memref_slice %arg6[%dma_start3A_231, %dma_start3A_243, %dma_start3A_244] : memref<5x128x128xf32, #tpu.memory_space<vmem>> -> memref<1x128x128xf32, #tpu.memory_space<vmem>>
      %dma_start3A_246 = tpu.memref_squeeze %dma_start3A_245 : memref<1x128x128xf32, #tpu.memory_space<vmem>> -> memref<128x128xf32, #tpu.memory_space<vmem>>
      %dma_start3A_247 = arith.constant 0 : i32
      %dma_start3A_248 = arith.constant 0 : i32
      %dma_start3A_249 = tpu.memref_slice %dma_start3A_246[%dma_start3A_247, %dma_start3A_248] : memref<128x128xf32, #tpu.memory_space<vmem>> -> memref<128x64xf32, #tpu.memory_space<vmem>>
      tpu.enqueue_dma source(%dma_start3A_249 : memref<128x64xf32, #tpu.memory_space<vmem>>) target(%dma_start3A_242 : memref<128x64xf32, #tpu.memory_space<hbm>>) target_semaphore(%arg8 : memref<!tpu.dma_semaphore, #tpu.memory_space<semaphore_mem>>)
      %dma_wait3A_250 = arith.constant 0 : i32
      %dma_wait3A_251 = arith.constant 0 : i32
      %dma_wait3A_252 = arith.constant 0 : i32
      %dma_wait3A_253 = tpu.memref_slice %arg6[%dma_wait3A_250, %dma_wait3A_251, %dma_wait3A_252] : memref<5x128x128xf32, #tpu.memory_space<vmem>> -> memref<1x128x128xf32, #tpu.memory_space<vmem>>
      %dma_wait3A_254 = tpu.memref_squeeze %dma_wait3A_253 : memref<1x128x128xf32, #tpu.memory_space<vmem>> -> memref<128x128xf32, #tpu.memory_space<vmem>>
      %dma_wait3A_255 = arith.constant 0 : i32
      %dma_wait3A_256 = arith.constant 0 : i32
      %dma_wait3A_257 = tpu.memref_slice %dma_wait3A_254[%dma_wait3A_255, %dma_wait3A_256] : memref<128x128xf32, #tpu.memory_space<vmem>> -> memref<128x64xf32, #tpu.memory_space<vmem>>
      %dma_wait3A_258 = arith.constant 0 : i32
      %dma_wait3A_259 = tpu.memref_slice %arg4[%mul3A_90, %dma_wait3A_258] : memref<204800x64xf32, #tpu.memory_space<hbm>> -> memref<128x64xf32, #tpu.memory_space<hbm>>
      %dma_wait3A_260 = arith.constant 0 : i32
      %dma_wait3A_261 = tpu.memref_slice %arg4[%mul3A_90, %dma_wait3A_260] : memref<204800x64xf32, #tpu.memory_space<hbm>> -> memref<128x64xf32, #tpu.memory_space<hbm>>
      %dma_wait3A_262 = arith.constant 0 : i32
      %dma_wait3A_263 = arith.constant 0 : i32
      %dma_wait3A_264 = tpu.memref_slice %arg6[%dma_wait3A_250, %dma_wait3A_262, %dma_wait3A_263] : memref<5x128x128xf32, #tpu.memory_space<vmem>> -> memref<1x128x128xf32, #tpu.memory_space<vmem>>
      %dma_wait3A_265 = tpu.memref_squeeze %dma_wait3A_264 : memref<1x128x128xf32, #tpu.memory_space<vmem>> -> memref<128x128xf32, #tpu.memory_space<vmem>>
      %dma_wait3A_266 = arith.constant 0 : i32
      %dma_wait3A_267 = arith.constant 0 : i32
      %dma_wait3A_268 = tpu.memref_slice %dma_wait3A_265[%dma_wait3A_266, %dma_wait3A_267] : memref<128x128xf32, #tpu.memory_space<vmem>> -> memref<128x64xf32, #tpu.memory_space<vmem>>
      tpu.wait_dma2 semaphore(%arg8 : memref<!tpu.dma_semaphore, #tpu.memory_space<semaphore_mem>>) src(%dma_wait3A_268 : memref<128x64xf32, #tpu.memory_space<vmem>>) dst(%dma_wait3A_261 : memref<128x64xf32, #tpu.memory_space<hbm>>)
      %dma_wait3A_269 = arith.constant 1 : i32
      %dma_wait3A_270 = arith.constant 0 : i32
      %dma_wait3A_271 = arith.constant 0 : i32
      %dma_wait3A_272 = tpu.memref_slice %arg6[%dma_wait3A_269, %dma_wait3A_270, %dma_wait3A_271] : memref<5x128x128xf32, #tpu.memory_space<vmem>> -> memref<1x128x128xf32, #tpu.memory_space<vmem>>
      %dma_wait3A_273 = tpu.memref_squeeze %dma_wait3A_272 : memref<1x128x128xf32, #tpu.memory_space<vmem>> -> memref<128x128xf32, #tpu.memory_space<vmem>>
      %dma_wait3A_274 = arith.constant 0 : i32
      %dma_wait3A_275 = arith.constant 0 : i32
      %dma_wait3A_276 = tpu.memref_slice %dma_wait3A_273[%dma_wait3A_274, %dma_wait3A_275] : memref<128x128xf32, #tpu.memory_space<vmem>> -> memref<128x64xf32, #tpu.memory_space<vmem>>
      %dma_wait3A_277 = arith.constant 0 : i32
      %dma_wait3A_278 = tpu.memref_slice %arg4[%mul3A_125, %dma_wait3A_277] : memref<204800x64xf32, #tpu.memory_space<hbm>> -> memref<128x64xf32, #tpu.memory_space<hbm>>
      %dma_wait3A_279 = arith.constant 0 : i32
      %dma_wait3A_280 = tpu.memref_slice %arg4[%mul3A_125, %dma_wait3A_279] : memref<204800x64xf32, #tpu.memory_space<hbm>> -> memref<128x64xf32, #tpu.memory_space<hbm>>
      %dma_wait3A_281 = arith.constant 0 : i32
      %dma_wait3A_282 = arith.constant 0 : i32
      %dma_wait3A_283 = tpu.memref_slice %arg6[%dma_wait3A_269, %dma_wait3A_281, %dma_wait3A_282] : memref<5x128x128xf32, #tpu.memory_space<vmem>> -> memref<1x128x128xf32, #tpu.memory_space<vmem>>
      %dma_wait3A_284 = tpu.memref_squeeze %dma_wait3A_283 : memref<1x128x128xf32, #tpu.memory_space<vmem>> -> memref<128x128xf32, #tpu.memory_space<vmem>>
      %dma_wait3A_285 = arith.constant 0 : i32
      %dma_wait3A_286 = arith.constant 0 : i32
      %dma_wait3A_287 = tpu.memref_slice %dma_wait3A_284[%dma_wait3A_285, %dma_wait3A_286] : memref<128x128xf32, #tpu.memory_space<vmem>> -> memref<128x64xf32, #tpu.memory_space<vmem>>
      tpu.wait_dma2 semaphore(%arg8 : memref<!tpu.dma_semaphore, #tpu.memory_space<semaphore_mem>>) src(%dma_wait3A_287 : memref<128x64xf32, #tpu.memory_space<vmem>>) dst(%dma_wait3A_280 : memref<128x64xf32, #tpu.memory_space<hbm>>)
      %dma_wait3A_288 = arith.constant 2 : i32
      %dma_wait3A_289 = arith.constant 0 : i32
      %dma_wait3A_290 = arith.constant 0 : i32
      %dma_wait3A_291 = tpu.memref_slice %arg6[%dma_wait3A_288, %dma_wait3A_289, %dma_wait3A_290] : memref<5x128x128xf32, #tpu.memory_space<vmem>> -> memref<1x128x128xf32, #tpu.memory_space<vmem>>
      %dma_wait3A_292 = tpu.memref_squeeze %dma_wait3A_291 : memref<1x128x128xf32, #tpu.memory_space<vmem>> -> memref<128x128xf32, #tpu.memory_space<vmem>>
      %dma_wait3A_293 = arith.constant 0 : i32
      %dma_wait3A_294 = arith.constant 0 : i32
      %dma_wait3A_295 = tpu.memref_slice %dma_wait3A_292[%dma_wait3A_293, %dma_wait3A_294] : memref<128x128xf32, #tpu.memory_space<vmem>> -> memref<128x64xf32, #tpu.memory_space<vmem>>
      %dma_wait3A_296 = arith.constant 0 : i32
      %dma_wait3A_297 = tpu.memref_slice %arg4[%mul3A_160, %dma_wait3A_296] : memref<204800x64xf32, #tpu.memory_space<hbm>> -> memref<128x64xf32, #tpu.memory_space<hbm>>
      %dma_wait3A_298 = arith.constant 0 : i32
      %dma_wait3A_299 = tpu.memref_slice %arg4[%mul3A_160, %dma_wait3A_298] : memref<204800x64xf32, #tpu.memory_space<hbm>> -> memref<128x64xf32, #tpu.memory_space<hbm>>
      %dma_wait3A_300 = arith.constant 0 : i32
      %dma_wait3A_301 = arith.constant 0 : i32
      %dma_wait3A_302 = tpu.memref_slice %arg6[%dma_wait3A_288, %dma_wait3A_300, %dma_wait3A_301] : memref<5x128x128xf32, #tpu.memory_space<vmem>> -> memref<1x128x128xf32, #tpu.memory_space<vmem>>
      %dma_wait3A_303 = tpu.memref_squeeze %dma_wait3A_302 : memref<1x128x128xf32, #tpu.memory_space<vmem>> -> memref<128x128xf32, #tpu.memory_space<vmem>>
      %dma_wait3A_304 = arith.constant 0 : i32
      %dma_wait3A_305 = arith.constant 0 : i32
      %dma_wait3A_306 = tpu.memref_slice %dma_wait3A_303[%dma_wait3A_304, %dma_wait3A_305] : memref<128x128xf32, #tpu.memory_space<vmem>> -> memref<128x64xf32, #tpu.memory_space<vmem>>
      tpu.wait_dma2 semaphore(%arg8 : memref<!tpu.dma_semaphore, #tpu.memory_space<semaphore_mem>>) src(%dma_wait3A_306 : memref<128x64xf32, #tpu.memory_space<vmem>>) dst(%dma_wait3A_299 : memref<128x64xf32, #tpu.memory_space<hbm>>)
      %dma_wait3A_307 = arith.constant 3 : i32
      %dma_wait3A_308 = arith.constant 0 : i32
      %dma_wait3A_309 = arith.constant 0 : i32
      %dma_wait3A_310 = tpu.memref_slice %arg6[%dma_wait3A_307, %dma_wait3A_308, %dma_wait3A_309] : memref<5x128x128xf32, #tpu.memory_space<vmem>> -> memref<1x128x128xf32, #tpu.memory_space<vmem>>
      %dma_wait3A_311 = tpu.memref_squeeze %dma_wait3A_310 : memref<1x128x128xf32, #tpu.memory_space<vmem>> -> memref<128x128xf32, #tpu.memory_space<vmem>>
      %dma_wait3A_312 = arith.constant 0 : i32
      %dma_wait3A_313 = arith.constant 0 : i32
      %dma_wait3A_314 = tpu.memref_slice %dma_wait3A_311[%dma_wait3A_312, %dma_wait3A_313] : memref<128x128xf32, #tpu.memory_space<vmem>> -> memref<128x64xf32, #tpu.memory_space<vmem>>
      %dma_wait3A_315 = arith.constant 0 : i32
      %dma_wait3A_316 = tpu.memref_slice %arg4[%mul3A_195, %dma_wait3A_315] : memref<204800x64xf32, #tpu.memory_space<hbm>> -> memref<128x64xf32, #tpu.memory_space<hbm>>
      %dma_wait3A_317 = arith.constant 0 : i32
      %dma_wait3A_318 = tpu.memref_slice %arg4[%mul3A_195, %dma_wait3A_317] : memref<204800x64xf32, #tpu.memory_space<hbm>> -> memref<128x64xf32, #tpu.memory_space<hbm>>
      %dma_wait3A_319 = arith.constant 0 : i32
      %dma_wait3A_320 = arith.constant 0 : i32
      %dma_wait3A_321 = tpu.memref_slice %arg6[%dma_wait3A_307, %dma_wait3A_319, %dma_wait3A_320] : memref<5x128x128xf32, #tpu.memory_space<vmem>> -> memref<1x128x128xf32, #tpu.memory_space<vmem>>
      %dma_wait3A_322 = tpu.memref_squeeze %dma_wait3A_321 : memref<1x128x128xf32, #tpu.memory_space<vmem>> -> memref<128x128xf32, #tpu.memory_space<vmem>>
      %dma_wait3A_323 = arith.constant 0 : i32
      %dma_wait3A_324 = arith.constant 0 : i32
      %dma_wait3A_325 = tpu.memref_slice %dma_wait3A_322[%dma_wait3A_323, %dma_wait3A_324] : memref<128x128xf32, #tpu.memory_space<vmem>> -> memref<128x64xf32, #tpu.memory_space<vmem>>
      tpu.wait_dma2 semaphore(%arg8 : memref<!tpu.dma_semaphore, #tpu.memory_space<semaphore_mem>>) src(%dma_wait3A_325 : memref<128x64xf32, #tpu.memory_space<vmem>>) dst(%dma_wait3A_318 : memref<128x64xf32, #tpu.memory_space<hbm>>)
      %dma_wait3A_326 = arith.constant 4 : i32
      %dma_wait3A_327 = arith.constant 0 : i32
      %dma_wait3A_328 = arith.constant 0 : i32
      %dma_wait3A_329 = tpu.memref_slice %arg6[%dma_wait3A_326, %dma_wait3A_327, %dma_wait3A_328] : memref<5x128x128xf32, #tpu.memory_space<vmem>> -> memref<1x128x128xf32, #tpu.memory_space<vmem>>
      %dma_wait3A_330 = tpu.memref_squeeze %dma_wait3A_329 : memref<1x128x128xf32, #tpu.memory_space<vmem>> -> memref<128x128xf32, #tpu.memory_space<vmem>>
      %dma_wait3A_331 = arith.constant 0 : i32
      %dma_wait3A_332 = arith.constant 0 : i32
      %dma_wait3A_333 = tpu.memref_slice %dma_wait3A_330[%dma_wait3A_331, %dma_wait3A_332] : memref<128x128xf32, #tpu.memory_space<vmem>> -> memref<128x64xf32, #tpu.memory_space<vmem>>
      %dma_wait3A_334 = arith.constant 0 : i32
      %dma_wait3A_335 = tpu.memref_slice %arg4[%mul3A_230, %dma_wait3A_334] : memref<204800x64xf32, #tpu.memory_space<hbm>> -> memref<128x64xf32, #tpu.memory_space<hbm>>
      %dma_wait3A_336 = arith.constant 0 : i32
      %dma_wait3A_337 = tpu.memref_slice %arg4[%mul3A_230, %dma_wait3A_336] : memref<204800x64xf32, #tpu.memory_space<hbm>> -> memref<128x64xf32, #tpu.memory_space<hbm>>
      %dma_wait3A_338 = arith.constant 0 : i32
      %dma_wait3A_339 = arith.constant 0 : i32
      %dma_wait3A_340 = tpu.memref_slice %arg6[%dma_wait3A_326, %dma_wait3A_338, %dma_wait3A_339] : memref<5x128x128xf32, #tpu.memory_space<vmem>> -> memref<1x128x128xf32, #tpu.memory_space<vmem>>
      %dma_wait3A_341 = tpu.memref_squeeze %dma_wait3A_340 : memref<1x128x128xf32, #tpu.memory_space<vmem>> -> memref<128x128xf32, #tpu.memory_space<vmem>>
      %dma_wait3A_342 = arith.constant 0 : i32
      %dma_wait3A_343 = arith.constant 0 : i32
      %dma_wait3A_344 = tpu.memref_slice %dma_wait3A_341[%dma_wait3A_342, %dma_wait3A_343] : memref<128x128xf32, #tpu.memory_space<vmem>> -> memref<128x64xf32, #tpu.memory_space<vmem>>
      tpu.wait_dma2 semaphore(%arg8 : memref<!tpu.dma_semaphore, #tpu.memory_space<semaphore_mem>>) src(%dma_wait3A_344 : memref<128x64xf32, #tpu.memory_space<vmem>>) dst(%dma_wait3A_337 : memref<128x64xf32, #tpu.memory_space<hbm>>)
    }
    %scan3A_6 = arith.constant 10 : i32
    return
  }
}

</mosaic_0001>

<sc_bundles>
// kernel: kernel.3.cloned.1.call-start
scs
__scs_entry_jumppad:
0x0: {  	(pc) =	sbr.rel $0x88, $3  }
0x1: {  	(tag) =	ssettag $0x0;
	lr =	simm.s32 $0x1  }
0x2: {  	[smem:$0x3F9F] =	sst lr;
	_ =	strace $0xD0000000  }
0x3: {  	_ = 	snop  }
0x4: {  	_ = 	snop  }
0x5: {  	_ = 	snop  }
0x6: {  	_ = 	snop  }
0x7: {  	_ = 	snop  }
__scs_overlays_trampoline_lowered:
0x8: {  	[smem:$0x3FAE] =	sst s0  }
0x9: {  	[smem:$0x3FAF] =	sst s1  }
0xa: {  	[smem:$0x3FB0] =	sst s2  }
0xb: {  	[smem:$0x3FB1] =	sst s3  }
0xc: {  	[smem:$0x3FB2] =	sst s4  }
0xd: {  	[smem:$0x3FB3] =	sst s5  }
0xe: {  	[smem:$0x3FB4] =	sst s6  }
0xf: {  	[smem:$0x3FB5] =	sst s7  }
0x10: {  	[smem:$0x3FB6] =	sst s8  }
0x11: {  	[smem:$0x3FB7] =	sst s9;
	s0 =	simm.s32 @!p0 $0x0  }
0x12: {  	s1 =	sld [smem:$0x3F9D];
	s0 =	simm.s32 @p0 $0x1  }
0x13: {  	[smem:$0x3FB8] =	sst s0;
	s0 =	simm.s32 @!p1 $0x0  }
0x14: {  	s2 =	sld [smem:$0x3F9C];
	s0 =	simm.s32 @p1 $0x1  }
0x15: {  	[smem:$0x3FB9] =	sst s0;
	s0 =	simm.s32 @!p2 $0x0  }
0x16: {  	s3 =	sld [smem:$0x3FDB];
	s0 =	simm.s32 @p2 $0x1  }
0x17: {  	s4 =	simm.s32 $0x1BF5;
	[smem:$0x3FBB] =	sst s0  }
0x18: {  	s0 =	sld [smem:$0x3F9E];
	_ =	swait.ge [sflag:s4], $0x0  }
0x19: {  	s7 =	sld [smem:$0x3F9F]  }
0x1a: {  	s8 =	sadd.s32 $0xFFFFE003, lr  }
0x1b: {  	s9 =	sadd.s32 $0xFFFFFEF7, lr;
	s5 =	simm.s32 $0xFFFFFFFF;
	p2 =	slt.u32 s8, $0xFFFFF086  }
0x1c: {  	p1 =	slt.u32 s9, $0xF7A;
	s5 =	simm.s32 @!p2 $0x0  }
0x1d: {  	s5 =	simm.s32 @p1 $0x1;
	p0 =	seq.s32 s7, s2  }
0x1e: {  	s7 =	smul.u32 @!p0 $0xF7A, s2;
	p2 =	seq.s32 @!p0 s5, $0x0  }
0x1f: {  	s9 =	smul.u32 $0xF7A, s1;
	s8 =	simm.s32 @!p0 $0x1BF5;
	p2 =	por !p2, p0  }
0x20: {  	[sflag:s8] =	ssyncset.s32 @!p0 $0xFFFFF086;
	s6 =	sadd.s32 @!p0 s3, s7;
	s7 =	simm.s32 @!p0 $0x108  }
0x21: {  	s3 =	sadd.s32 s3, s9;
	s6 =	sadd.s32 @!p0 $0x88, s6;
	s7 =	simm.s32 @p2 $0x1082  }
0x22: {  	[simem:s7], [sflag:s8] =	dma.local @!p0 [hbm:s6], $0xF7A  }
0x23: {  	s9 =	sor.u32 $0xD0000000, s2;
	s6 =	simm.s32 $0x108;
	_ =	swait.ge @!p0 [sflag:s8], $0x0  }
0x24: {  	s3 =	sadd.s32 $0x88, s3;
	s6 =	simm.s32 @!p1 $0x1082;
	[sflag:s4] =	ssyncset.s32 $0xFFFFF086  }
0x25: {  	[simem:s6], [sflag:s4] =	dma.local [hbm:s3], $0xF7A  }
0x26: {  	[smem:$0x3F9F] =	sst s1;
	(tag) =	ssettag s2;
	_ =	strace s9  }
0x27: {  	s1 =	sld [smem:$0x3FAF]  }
0x28: {  	s2 =	sld [smem:$0x3FB0]  }
0x29: {  	s4 =	sld [smem:$0x3FB2]  }
0x2a: {  	p0 =	seq.s32 s5, $0x0;
	s5 =	sld [smem:$0x3FB3]  }
0x2b: {  	s6 =	sld [smem:$0x3FB4]  }
0x2c: {  	s7 =	sld [smem:$0x3FB5]  }
0x2d: {  	s3 =	simm.s32 $0x108;
	s8 =	sld [smem:$0x3FB6]  }
0x2e: {  	s3 =	simm.s32 @!p0 $0x1082;
	s9 =	sld [smem:$0x3FB7]  }
0x2f: {  	lr =	sadd.s32 s0, s3;
	s0 =	sld [smem:$0x3FAE]  }
0x30: {  	s3 =	sld [smem:$0x3FB1]  }
0x31: {  	[smem:$0x3FBA] =	sst s10  }
0x32: {  	s10 =	sld [smem:$0x3FB8];
	_ =	sdelay $0x3  }
0x33: {  	p0 =	seq.s32 s10, $0x1;
	s10 =	sld [smem:$0x3FBA];
	_ =	sdelay $0x3  }
0x34: {  	[smem:$0x3FBA] =	sst s10  }
0x35: {  	s10 =	sld [smem:$0x3FB9];
	_ =	sdelay $0x3  }
0x36: {  	p1 =	seq.s32 s10, $0x1;
	s10 =	sld [smem:$0x3FBA];
	_ =	sdelay $0x3  }
0x37: {  	[smem:$0x3FBA] =	sst s10  }
0x38: {  	s10 =	sld [smem:$0x3FBB]  }
0x39: {  	_ = 	snop;
	(pc) =	sbr.ind lr, $3  }
0x3a: {  	_ = 	snop  }
0x3b: {  	_ = 	snop  }
0x3c: {  	p2 =	seq.s32 s10, $0x1;
	s10 =	sld [smem:$0x3FBA]  }
0x3d: {  	_ =	shalt  }
0x3e: {  	_ =	shalt  }
0x3f: {  	_ =	shalt  }
0x40: {  	_ =	shalt  }
0x41: {  	_ =	shalt  }
0x42: {  	_ =	shalt  }
0x43: {  	_ =	shalt  }
0x44: {  	_ =	shalt  }
0x45: {  	_ =	shalt  }
0x46: {  	_ =	shalt  }
0x47: {  	_ =	shalt  }
0x48: {  	_ =	shalt  }
0x49: {  	_ =	shalt  }
0x4a: {  	_ =	shalt  }
0x4b: {  	_ =	shalt  }
0x4c: {  	_ =	shalt  }
0x4d: {  	_ =	shalt  }
0x4e: {  	_ =	shalt  }
0x4f: {  	_ =	shalt  }
0x50: {  	_ =	shalt  }
0x51: {  	_ =	shalt  }
0x52: {  	_ =	shalt  }
0x53: {  	_ =	shalt  }
0x54: {  	_ =	shalt  }
0x55: {  	_ =	shalt  }
0x56: {  	_ =	shalt  }
0x57: {  	_ =	shalt  }
0x58: {  	_ =	shalt  }
0x59: {  	_ =	shalt  }
0x5a: {  	_ =	shalt  }
0x5b: {  	_ =	shalt  }
0x5c: {  	_ =	shalt  }
0x5d: {  	_ =	shalt  }
0x5e: {  	_ =	shalt  }
0x5f: {  	_ =	shalt  }
0x60: {  	_ =	shalt  }
0x61: {  	_ =	shalt  }
0x62: {  	_ =	shalt  }
0x63: {  	_ =	shalt  }
0x64: {  	_ =	shalt  }
0x65: {  	_ =	shalt  }
0x66: {  	_ =	shalt  }
0x67: {  	_ =	shalt  }
0x68: {  	_ =	shalt  }
0x69: {  	_ =	shalt  }
0x6a: {  	_ =	shalt  }
0x6b: {  	_ =	shalt  }
0x6c: {  	_ =	shalt  }
0x6d: {  	_ =	shalt  }
0x6e: {  	_ =	shalt  }
0x6f: {  	_ =	shalt  }
0x70: {  	_ =	shalt  }
0x71: {  	_ =	shalt  }
0x72: {  	_ =	shalt  }
0x73: {  	_ =	shalt  }
0x74: {  	_ =	shalt  }
0x75: {  	_ =	shalt  }
0x76: {  	_ =	shalt  }
0x77: {  	_ =	shalt  }
0x78: {  	_ =	shalt  }
0x79: {  	_ =	shalt  }
0x7a: {  	_ =	shalt  }
0x7b: {  	_ =	shalt  }
0x7c: {  	_ =	shalt  }
0x7d: {  	_ =	shalt  }
0x7e: {  	_ =	shalt  }
0x7f: {  	_ =	shalt  }
0x80: {  	_ =	shalt  }
0x81: {  	_ =	shalt  }
0x82: {  	_ =	shalt  }
0x83: {  	_ =	shalt  }
0x84: {  	_ =	shalt  }
0x85: {  	_ =	shalt  }
0x86: {  	_ =	shalt  }
0x87: {  	_ =	shalt  }
.Lfunc_end0:
.L_simem_size_0:
called_computation.1_lowered:
.L_overlay_start_0:
0x88: {  	s2 =	sld [smem:$0x3FD9]  }
0x89: {  	s3 =	sld [smem:$0x3FFE];
	_ =	sdelay $0x1  }
0x8a: {  	s1 =	srdreg.scid  }
0x8b: {  	s0 =	sand.u32 $0x1, s1  }
0x8c: {  	s17 =	sshll.u32 s0, $0xA;
	s2 =	sadd.s32 s3, s2  }
0x8d: {  	s2 =	sadd.s32 s2, s17  }
0x8e: {  	[smem:$0x3FC6] =	sst s2  }
0x8f: {  	_ = 	snop  }
0x90: {  	s2 =	sld [smem:$0x3FD0];
	(tm) =	ssettm $0x1  }
0x91: {  	s18 =	sld [smem:$0x3FFB];
	_ =	sdelay $0x3  }
0x92: {  	_ =	strace s18  }
0x93: {  	s3 =	sld [smem:$0x3FFC];
	_ =	sdelay $0x3  }
0x94: {  	_ =	strace s3  }
0x95: {  	s3 =	sld [smem:$0x3FFD];
	_ =	sdelay $0x3  }
0x96: {  	_ =	strace s3  }
0x97: {  	_ =	strace $0x8FFFFFFF  }
0x98: {  	s19 =	sld [smem:$0x3FDB];
	_ =	sdelay $0x1  }
0x99: {  	s4 =	simm.s32 $_scs_section_size  }
0x9a: {  	s5 =	simm.s32 $_size__tile_overlayer_lowered;
	s6 =	simm.s32 $_tile_overlayer_lowered  }
0x9b: {  	s22 =	simm.s32 $0x1BFF;
	s21 =	sshll.u32 s6, $0x1;
	s3 =	sadd.s32 s4, s19  }
0x9c: {  	s7 =	simm.s32 $0x0;
	s20 =	sshll.u32 s5, $0x1;
	s5 =	sadd.s32 s21, s3  }
0x9d: {  	[timem:s7], [sflag:s22] =	dma.local [hbm:s5], s20  }
0x9e: {  	_ =	swait.ge [sflag:s22], s20  }
0x9f: {  	s4 =	ssub.s32 $0x0, s20;
	[sflag:s22] =	ssyncset.done $0x0  }
0xa0: {  	[sflag:s22] =	ssyncadd.s32 s4;
	_ =	sdelay $0x1  }
0xa1: {  	s23 =	simm.s32 $0x1B8B  }
0xa2: {  	_ =	swait.ge [sflag:s23], $0x1  }
0xa3: {  	[sflag:s23] =	ssyncset.done $0x0  }
0xa4: {  	s25 =	simm.s32 $0x1B8E;
	s24 =	sld [smem:$0x3FFE];
	[sflag:s23] =	ssyncadd.s32 $0xFFFFFFFF  }
0xa5: {  	s26 =	simm.s32 $execute0_lowered;
	[smem:$0x3FD2] =	sst s25  }
0xa6: {  	s5 =	sshll.u32 s26, $0x1;
	_ =	strace $0x80000046;
	[dreg:$0x1] =	wrdreg $0xFFFFFFFF  }
0xa7: {  	s28 =	simm.s32 $_size_execute0_lowered;
	s3 =	sadd.s32 s3, s5;
	[dreg:$0x0] =	wrdreg $0x0  }
0xa8: {  	s5 =	sshll.u32 s28, $0x1;
	[dreg:$0x2] =	wrdreg s3  }
0xa9: {  	[dreg:$0x3] =	wrdreg s5  }
0xaa: {  	[dreg:$0x4] =	wrdreg $0xC0  }
0xab: {  	_ =	task [dreg:s7], $0x5FFFF  }
0xac: {  	[dreg:$0x1] =	wrdreg $0xFFFFFFFF  }
0xad: {  	[dreg:$0x0] =	wrdreg $0x60  }
0xae: {  	[dreg:$0x2] =	wrdreg s24  }
0xaf: {  	[dreg:$0x3] =	wrdreg s2  }
0xb0: {  	[dreg:$0x4] =	wrdreg $0x9  }
0xb1: {  	_ =	task.clear_ibuf [dreg:s7], $0x5FFFF;
	_ =	strace $0x90000046  }
0xb2: {  	s29 =	simm.s32 $0x9;
	_ =	strace $0x80000048  }
0xb3: {  	_ =	swait.ge [sflag:s29], $0x1  }
0xb4: {  	[sflag:s29] =	ssyncadd.s32 $0xFFFFFFFF  }
0xb5: {  	_ =	strace $0x90000048  }
0xb6: {  	_ =	sfence  }
0xb7: {  	s30 =	sld [smem:$0x0];
	_ =	sdelay $0x2  }
0xb8: {  	s31 =	sshll.u32 s1, $0xD;
	s1 =	sshrl.u32 s1, $0x2  }
0xb9: {  	s3 =	sand.u32 $0x4000, s31;
	s1 =	sadd.s32 s1, s30  }
0xba: {  	s0 =	sor.u32 s3, s0;
	s1 =	sshll.u32 s1, $0x11  }
0xbb: {  	s0 =	sor.u32 s1, s0  }
0xbc: {  	s0 =	sadd.s32 $0x8F2B, s0  }
0xbd: {  	[sflag:s0] =	ssyncadd.remote.s32 $0x1  }
0xbe: {  	_ =	sfence.sel $0xFFFF  }
0xbf: {  	[dreg:$0x0] =	wrdreg $0xFFFFFFFF;
	(pc) =	sbr.abs _section_cstart, $3  }
0xc0: {  	[dreg:$0x1] =	wrdreg $0xFFFFFFFF  }
0xc1: {  	_ =	task.clear_ibuf [dreg:s7], $0x2FFFF;
	_ =	strace $0x9FFFFFFF  }
0xc2: {  	(tm) =	ssettm $0x7FFFFFFF  }
0xc3: {  	_ =	shalt  }
tec
execute0_lowered:
.L_overlay_start_1:
0x0: {  	(tag) =	ssettag $0x1  }
0x1: {  	s1 =	srdreg.scid  }
0x2: {  	s0 =	stileid.u32;
	s4 =	rddreg [dreg:$0x0]  }
0x3: {  	s2 =	rddreg [dreg:$0x1];
	s3 =	simm.s32 $0x0;
	s12 =	simm.s32 $0x3  }
0x4: {  	s13 =	simm.s32 $0x80;
	s14 =	simm.s32 $0x5900;
	s15 =	simm.s32 $0x9900  }
0x5: {  	s16 =	simm.s32 $0xD900;
	s17 =	simm.s32 $0x11900;
	s18 =	simm.s32 $0x1  }
0x6: {  	s19 =	simm.s32 $0x2;
	s5 =	sand.u32 $0x1, s1;
	s1 =	rddreg [dreg:$0x2]  }
0x7: {  	s20 =	simm.s32 $0x0;
	s31 =	sshll.u32 s0, $0x1;
	[smem:$0x7FF] =	sst s3  }
0x8: {  	s9 =	sadd.s32 $0xC00, s2;
	s6 =	sor.u32 s5, s31;
	s5 =	ssub.s32 $0x2, s5  }
0x9: {  	s10 =	sadd.s32 $0x1000, s2;
	s7 =	smul.u32 $0x320, s6;
	s8 =	sshrl.u32 s5, $0x1  }
0xa: {  	_ =	strace $0x80000047;
	s11 =	ssub.s32 s5, s8;
	s5 =	smul.u32 $0x32, s6  }
0xb: {  	s8 =	sadd.s32 $0x800, s2;
	s7 =	sadd.s32 s7, s4;
	s4 =	sadd.s32 $0xF49200, s4  }
0xc: {  	s11 =	smax.u32 s11, $0x1;
	s6 =	sadd.s32 $0xF42E00, s7;
	s7 =	sadd.s32 $0x400, s2  }
.LBB2_1:
0xd: {  	[tilespmem:s3], [sflag:$0x3] =	stream.linear.gather [hbm4b:s6+s3], $0x1900, $0x38;
	[tilespmem:$0x15900] =	vst v63  }
0xe: {  	_ =	swait.ge [sflag:s12], $0x1900  }
0xf: {  	[sflag:s12] =	ssyncset.done $0x0  }
0x10: {  	s21 =	simm.s32 $0x0;
	[sflag:s12] =	ssyncadd.s32 $0xFFFFE700  }
.LBB2_2:
0x11: {  	s22 =	smul.u32 $0xA00, s21;
	_ =	sdelay $0x1  }
0x12: {  	s23 =	simm.s32 $0x1900;
	s22 =	sshra.s32 s22, $0x2  }
0x13: {  	[tilespmem:s23], [sflag:$0x1] =	stream.indirect.gather [hbm4b:s4+s13], $0x80, s22, s13, $0xb8;
	[tilespmem:$0x15900] =	vst v63  }
0x14: {  	s24 =	sadd.s32 $0x80, s22  }
0x15: {  	[tilespmem:s14], [sflag:$0x1] =	stream.indirect.gather [hbm4b:s4+s13], $0x80, s24, s13, $0xb8;
	[tilespmem:$0x15900] =	vst v63  }
0x16: {  	s26 =	sadd.s32 $0x100, s22  }
0x17: {  	[tilespmem:s15], [sflag:$0x1] =	stream.indirect.gather [hbm4b:s4+s13], $0x80, s26, s13, $0xb8;
	[tilespmem:$0x15900] =	vst v63  }
0x18: {  	s30 =	smul.u32 $0x5, s21;
	s29 =	sadd.s32 $0x180, s22  }
0x19: {  	[tilespmem:s16], [sflag:$0x1] =	stream.indirect.gather [hbm4b:s4+s13], $0x80, s29, s13, $0xb8;
	[tilespmem:$0x15900] =	vst v63  }
0x1a: {  	s31 =	sadd.s32 s5, s30;
	s22 =	sadd.s32 $0x200, s22  }
0x1b: {  	[tilespmem:s17], [sflag:$0x1] =	stream.indirect.gather [hbm4b:s4+s13], $0x80, s22, s13, $0xb8;
	[tilespmem:$0x15900] =	vst v63  }
0x1c: {  	s22 =	sshll.u32 s31, $0xA;
	_ =	swait.ge [sflag:s18], $0x4000  }
0x1d: {  	s25 =	simm.s32 $0x8;
	s24 =	sadd.s32 s2, s22;
	[sflag:s18] =	ssyncset.done $0x0  }
0x1e: {  	s26 =	simm.s32 $0x1980;
	s28 =	sadd.s32 $0x0, s24;
	[sflag:s18] =	ssyncadd.s32 $0xFFFFC000  }
.LBB2_3:
0x1f: {  	[hbm4b:s28+s3] =	stream.linear.scatter [tilespmem:s23], [sflag:$0x2], $0x40, $0x38;
	[tilespmem:$0x15900] =	vst v63  }
0x20: {  	s28 =	smov.u32 s25;
	s23 =	smov.u32 s26;
	p0 =	sne.s32 s25, $0x3F8  }
.Ltmp0:
0x21: {  	s25 =	sadd.s32 $0x8, s25;
	(pc) =	sbr.rel @p0 .LBB2_3-.Ltmp0, $2  }
0x22: {  	_ =	sdelay $0x2  }
0x23: {  	s26 =	sadd.s32 $0x80, s26;
	s28 =	sadd.s32 s28, s24  }
0x24: {  	[hbm4b:s28+s3] =	stream.linear.scatter [tilespmem:s23], [sflag:$0x2], $0x40, $0x38;
	[tilespmem:$0x15900] =	vst v63  }
0x25: {  	s23 =	sadd.s32 s22, s7;
	_ =	swait.ge [sflag:s18], $0x4000  }
0x26: {  	s24 =	simm.s32 $0x5900;
	s25 =	simm.s32 $0x8;
	[sflag:s18] =	ssyncset.done $0x0  }
0x27: {  	s26 =	simm.s32 $0x5980;
	s28 =	sadd.s32 $0x0, s23;
	[sflag:s18] =	ssyncadd.s32 $0xFFFFC000  }
.LBB2_5:
0x28: {  	[hbm4b:s28+s3] =	stream.linear.scatter [tilespmem:s24], [sflag:$0x2], $0x40, $0x38;
	[tilespmem:$0x15900] =	vst v63  }
0x29: {  	s28 =	smov.u32 s25;
	s24 =	smov.u32 s26;
	p0 =	sne.s32 s25, $0x3F8  }
.Ltmp1:
0x2a: {  	s25 =	sadd.s32 $0x8, s25;
	(pc) =	sbr.rel @p0 .LBB2_5-.Ltmp1, $2  }
0x2b: {  	_ =	sdelay $0x2  }
0x2c: {  	s26 =	sadd.s32 $0x80, s26;
	s28 =	sadd.s32 s28, s23  }
0x2d: {  	[hbm4b:s28+s3] =	stream.linear.scatter [tilespmem:s24], [sflag:$0x2], $0x40, $0x38;
	[tilespmem:$0x15900] =	vst v63  }
0x2e: {  	s23 =	sadd.s32 s22, s8;
	_ =	swait.ge [sflag:s18], $0x4000  }
0x2f: {  	s24 =	simm.s32 $0x9900;
	s25 =	simm.s32 $0x8;
	[sflag:s18] =	ssyncset.done $0x0  }
0x30: {  	s26 =	simm.s32 $0x9980;
	s28 =	sadd.s32 $0x0, s23;
	[sflag:s18] =	ssyncadd.s32 $0xFFFFC000  }
.LBB2_7:
0x31: {  	[hbm4b:s28+s3] =	stream.linear.scatter [tilespmem:s24], [sflag:$0x2], $0x40, $0x38;
	[tilespmem:$0x15900] =	vst v63  }
0x32: {  	s28 =	smov.u32 s25;
	s24 =	smov.u32 s26;
	p0 =	sne.s32 s25, $0x3F8  }
.Ltmp2:
0x33: {  	s25 =	sadd.s32 $0x8, s25;
	(pc) =	sbr.rel @p0 .LBB2_7-.Ltmp2, $2  }
0x34: {  	_ =	sdelay $0x2  }
0x35: {  	s26 =	sadd.s32 $0x80, s26;
	s28 =	sadd.s32 s28, s23  }
0x36: {  	[hbm4b:s28+s3] =	stream.linear.scatter [tilespmem:s24], [sflag:$0x2], $0x40, $0x38;
	[tilespmem:$0x15900] =	vst v63  }
0x37: {  	s23 =	sadd.s32 s22, s9;
	_ =	swait.ge [sflag:s18], $0x4000  }
0x38: {  	s24 =	simm.s32 $0xD900;
	s25 =	simm.s32 $0x8;
	[sflag:s18] =	ssyncset.done $0x0  }
0x39: {  	s26 =	simm.s32 $0xD980;
	s28 =	sadd.s32 $0x0, s23;
	[sflag:s18] =	ssyncadd.s32 $0xFFFFC000  }
.LBB2_9:
0x3a: {  	[hbm4b:s28+s3] =	stream.linear.scatter [tilespmem:s24], [sflag:$0x2], $0x40, $0x38;
	[tilespmem:$0x15900] =	vst v63  }
0x3b: {  	s28 =	smov.u32 s25;
	s24 =	smov.u32 s26;
	p0 =	sne.s32 s25, $0x3F8  }
.Ltmp3:
0x3c: {  	s25 =	sadd.s32 $0x8, s25;
	(pc) =	sbr.rel @p0 .LBB2_9-.Ltmp3, $2  }
0x3d: {  	_ =	sdelay $0x2  }
0x3e: {  	s26 =	sadd.s32 $0x80, s26;
	s28 =	sadd.s32 s28, s23  }
0x3f: {  	[hbm4b:s28+s3] =	stream.linear.scatter [tilespmem:s24], [sflag:$0x2], $0x40, $0x38;
	[tilespmem:$0x15900] =	vst v63  }
0x40: {  	s22 =	sadd.s32 s22, s10;
	_ =	swait.ge [sflag:s18], $0x4000  }
0x41: {  	s23 =	simm.s32 $0x11900;
	s24 =	simm.s32 $0x8;
	[sflag:s18] =	ssyncset.done $0x0  }
0x42: {  	s25 =	simm.s32 $0x11980;
	s26 =	sadd.s32 $0x0, s22;
	[sflag:s18] =	ssyncadd.s32 $0xFFFFC000  }
.LBB2_11:
0x43: {  	[hbm4b:s26+s3] =	stream.linear.scatter [tilespmem:s23], [sflag:$0x2], $0x40, $0x38;
	[tilespmem:$0x15900] =	vst v63  }
0x44: {  	s26 =	smov.u32 s24;
	s23 =	smov.u32 s25;
	p0 =	sne.s32 s24, $0x3F8  }
.Ltmp4:
0x45: {  	s24 =	sadd.s32 $0x8, s24;
	(pc) =	sbr.rel @p0 .LBB2_11-.Ltmp4, $2  }
0x46: {  	_ =	sdelay $0x2  }
0x47: {  	s25 =	sadd.s32 $0x80, s25;
	s26 =	sadd.s32 s26, s22  }
0x48: {  	[hbm4b:s26+s3] =	stream.linear.scatter [tilespmem:s23], [sflag:$0x2], $0x40, $0x38;
	[tilespmem:$0x15900] =	vst v63  }
0x49: {  	_ =	swait.ge [sflag:s19], $0x2000  }
0x4a: {  	[sflag:s19] =	ssyncset.done $0x0  }
0x4b: {  	[sflag:s19] =	ssyncadd.s32 $0xFFFFE000  }
0x4c: {  	_ =	swait.ge [sflag:s19], $0x2000  }
0x4d: {  	[sflag:s19] =	ssyncset.done $0x0  }
0x4e: {  	[sflag:s19] =	ssyncadd.s32 $0xFFFFE000  }
0x4f: {  	_ =	swait.ge [sflag:s19], $0x2000  }
0x50: {  	[sflag:s19] =	ssyncset.done $0x0  }
0x51: {  	s21 =	sadd.s32 $0x1, s21;
	[sflag:s19] =	ssyncadd.s32 $0xFFFFE000  }
0x52: {  	p0 =	sne.s32 s21, $0xA;
	_ =	swait.ge [sflag:s19], $0x2000  }
.Ltmp5:
0x53: {  	[sflag:s19] =	ssyncset.done $0x0;
	(pc) =	sbr.rel @p0 .LBB2_2-.Ltmp5, $4  }
0x54: {  	[sflag:s19] =	ssyncadd.s32 $0xFFFFE000  }
0x55: {  	_ =	swait.ge [sflag:s19], $0x2000  }
0x56: {  	[sflag:s19] =	ssyncset.done $0x0  }
0x57: {  	[sflag:s19] =	ssyncadd.s32 $0xFFFFE000  }
0x58: {  	s20 =	sadd.s32 $0x1, s20  }
0x59: {  	p0 =	sne.s32 s20, s11  }
.Ltmp6:
0x5a: {  	_ = 	snop;
	(pc) =	sbr.rel @p0 .LBB2_1-.Ltmp6, $1  }
0x5b: {  	_ =	sdelay $0x3  }
0x5c: {  	_ =	sfence.sel $0x180000  }
0x5d: {  	[bflag:$0x0] =	sbarrier.arrive $0xFFFF  }
0x5e: {  	p0 =	sne.s32 s0, $0x0;
	_ =	strace $0x90000047  }
0x5f: {  	s0 =	sadd.s32 @!p0 $0x100000, s1;
	[bflag:$0x2] =	sbarrier.arrive $0xFFFF  }
0x60: {  	[sflag:s0] =	ssyncadd.tile.s32 @!p0 $0x1;
	_ =	shalt  }
.Lfunc_end2:
_tile_overlayer_lowered:
.L_overlay_start_2:
0x61: {  	(tag) =	ssettag $0x2  }
0x62: {  	s0 =	rddreg [dreg:$0x0];
	s2 =	stileid.u32  }
0x63: {  	s1 =	rddreg [dreg:$0x1];
	p0 =	sne.s32 s2, $0x0  }
0x64: {  	s3 =	rddreg [dreg:$0x2];
	[bflag:$0x3] =	sbarrier.arrive $0xFFFF;
	s2 =	simm.s32 @!p0 $0x1C03  }
0x65: {  	[timem:s3], [sflag:s2] =	dma.local @!p0 [hbm:s0], s1  }
0x66: {  	s0 =	simm.s32 @!p0 $0x3  }
0x67: {  	_ =	swait.ge @!p0 [sflag:s0], s1  }
0x68: {  	s1 =	ssub.s32 @!p0 $0x0, s1;
	[sflag:s0] =	ssyncset.done @!p0 $0x0  }
0x69: {  	[sflag:s0] =	ssyncadd.s32 @!p0 s1  }
0x6a: {  	[bflag:$0x3] =	sbarrier.arrive $0xFFFF  }
0x6b: {  	_ =	shalt  }

// kernel: sparse-core-data-format-call.cloned.1.call-start
scs
called_computation_lowered:
.L_overlay_start_0:
0x0: {  	s2 =	sld [smem:$0x3FD9]  }
0x1: {  	s3 =	sld [smem:$0x3FFE];
	_ =	sdelay $0x1  }
0x2: {  	s1 =	srdreg.scid  }
0x3: {  	s0 =	sand.u32 $0x1, s1  }
0x4: {  	s18 =	sshll.u32 s0, $0xA;
	s2 =	sadd.s32 s3, s2  }
0x5: {  	s2 =	sadd.s32 s2, s18  }
0x6: {  	[smem:$0x3FC6] =	sst s2  }
0x7: {  	_ = 	snop  }
0x8: {  	s2 =	sld [smem:$0x3FD0];
	(tm) =	ssettm $0x1  }
0x9: {  	s19 =	sld [smem:$0x3FFB];
	_ =	sdelay $0x3  }
0xa: {  	_ =	strace s19  }
0xb: {  	s3 =	sld [smem:$0x3FFC];
	_ =	sdelay $0x3  }
0xc: {  	_ =	strace s3  }
0xd: {  	s3 =	sld [smem:$0x3FFD];
	_ =	sdelay $0x3  }
0xe: {  	_ =	strace s3  }
0xf: {  	_ =	strace $0x8FFFFFFF  }
0x10: {  	s20 =	sld [smem:$0x3FDB];
	_ =	sdelay $0x1  }
0x11: {  	s4 =	simm.s32 $_scs_section_size  }
0x12: {  	s5 =	simm.s32 $_size__tile_overlayer_lowered;
	s6 =	simm.s32 $_tile_overlayer_lowered  }
0x13: {  	s23 =	simm.s32 $0x1BFF;
	s22 =	sshll.u32 s6, $0x1;
	s3 =	sadd.s32 s4, s20  }
0x14: {  	s7 =	simm.s32 $0x0;
	s21 =	sshll.u32 s5, $0x1;
	s5 =	sadd.s32 s22, s3  }
0x15: {  	[timem:s7], [sflag:s23] =	dma.local [hbm:s5], s21  }
0x16: {  	_ =	swait.ge [sflag:s23], s21  }
0x17: {  	s4 =	ssub.s32 $0x0, s21;
	[sflag:s23] =	ssyncset.done $0x0  }
0x18: {  	[sflag:s23] =	ssyncadd.s32 s4;
	_ =	sdelay $0x1  }
0x19: {  	s24 =	simm.s32 $0x1B8B  }
0x1a: {  	_ =	swait.ge [sflag:s24], $0x1  }
0x1b: {  	[sflag:s24] =	ssyncset.done $0x0  }
0x1c: {  	s26 =	simm.s32 $0x1B8E;
	s25 =	sld [smem:$0x3FFE];
	[sflag:s24] =	ssyncadd.s32 $0xFFFFFFFF  }
0x1d: {  	s27 =	simm.s32 $execute0_lowered;
	[smem:$0x3FD2] =	sst s26  }
0x1e: {  	s5 =	sshll.u32 s27, $0x1;
	_ =	strace $0x80000049;
	[dreg:$0x1] =	wrdreg $0xFFFFFFFF  }
0x1f: {  	s28 =	simm.s32 $_size_execute0_lowered;
	s3 =	sadd.s32 s3, s5;
	[dreg:$0x0] =	wrdreg $0x0  }
0x20: {  	s5 =	sshll.u32 s28, $0x1;
	[dreg:$0x2] =	wrdreg s3  }
0x21: {  	[dreg:$0x3] =	wrdreg s5  }
0x22: {  	[dreg:$0x4] =	wrdreg $0xC0  }
0x23: {  	_ =	task [dreg:s7], $0x5FFFF  }
0x24: {  	[dreg:$0x1] =	wrdreg $0xFFFFFFFF  }
0x25: {  	[dreg:$0x0] =	wrdreg $0x60  }
0x26: {  	[dreg:$0x2] =	wrdreg s25  }
0x27: {  	[dreg:$0x3] =	wrdreg s2  }
0x28: {  	[dreg:$0x4] =	wrdreg $0x9  }
0x29: {  	_ =	task.clear_ibuf [dreg:s7], $0x5FFFF;
	_ =	strace $0x90000049  }
0x2a: {  	s29 =	simm.s32 $0x9;
	_ =	strace $0x8000004B  }
0x2b: {  	_ =	swait.ge [sflag:s29], $0x1  }
0x2c: {  	[sflag:s29] =	ssyncadd.s32 $0xFFFFFFFF  }
0x2d: {  	_ =	strace $0x9000004B  }
0x2e: {  	_ =	sfence  }
0x2f: {  	s30 =	sld [smem:$0x0];
	_ =	sdelay $0x2  }
0x30: {  	s31 =	sshll.u32 s1, $0xD;
	s1 =	sshrl.u32 s1, $0x2  }
0x31: {  	s3 =	sand.u32 $0x4000, s31;
	s1 =	sadd.s32 s1, s30  }
0x32: {  	s0 =	sor.u32 s3, s0;
	s1 =	sshll.u32 s1, $0x11  }
0x33: {  	s0 =	sor.u32 s1, s0  }
0x34: {  	s0 =	sadd.s32 $0x8F2B, s0  }
0x35: {  	[sflag:s0] =	ssyncadd.remote.s32 $0x1  }
0x36: {  	_ =	sfence.sel $0xFFFF  }
0x37: {  	[dreg:$0x0] =	wrdreg $0xFFFFFFFF;
	(pc) =	sbr.abs _section_cstart, $3  }
0x38: {  	[dreg:$0x1] =	wrdreg $0xFFFFFFFF  }
0x39: {  	_ =	task.clear_ibuf [dreg:s7], $0x2FFFF;
	_ =	strace $0x9FFFFFFF  }
0x3a: {  	(tm) =	ssettm $0x7FFFFFFF  }
0x3b: {  	_ =	shalt  }
tec
execute0_lowered:
.L_overlay_start_1:
0x0: {  	(tag) =	ssettag $0x1  }
0x1: {  	s7 =	rddreg [dreg:$0x0]  }
0x2: {  	s2 =	rddreg [dreg:$0x1]  }
0x3: {  	s0 =	stileid.u32;
	s1 =	srdreg.scid;
	s31 =	simm.s32 $0x2  }
0x4: {  	s14 =	simm.s32 $0x0;
	s15 =	simm.s32 $0x0;
	s13 =	simm.s32 $0x0  }
0x5: {  	s3 =	sshll.u32 s0, $0x5;
	s4 =	sshll.u32 s1, $0x9;
	s5 =	sshll.u32 s0, $0x1  }
0x6: {  	s1 =	rddreg [dreg:$0x2];
	s4 =	sor.u32 s3, s4;
	s3 =	sand.u32 $0x6, s5  }
0x7: {  	_ =	strace $0x8000004A;
	s4 =	sand.u32 $0x380, s4;
	s5 =	ssub.s32 $0xC8, s3  }
0x8: {  	s12 =	smov.u32 s3;
	s8 =	sshll.u32 s4, $0x4;
	s6 =	sand.u32 $0x6, s5  }
0x9: {  	s9 =	ssub.s32 $0x400, s4;
	s11 =	sshrl.u32 s5, $0x3;
	s5 =	simm.s32 $0x1  }
0xa: {  	p0 =	sne.s32 s6, $0x0;
	s6 =	simm.s32 $0x1;
	s10 =	sand.u32 $0x380, s9  }
0xb: {  	s6 =	simm.s32 @!p0 $0x0;
	p0 =	sne.s32 s10, $0x0;
	s10 =	simm.s32 $0x1  }
.Ltmp0:
0xc: {  	s9 =	sshrl.u32 s9, $0xA;
	s10 =	simm.s32 @!p0 $0x0;
	(pc) =	sbr.rel .LBB1_1-.Ltmp0, $4  }
0xd: {  	[sflag:s5] =	ssyncpa.u1 $0x0;
	s6 =	sadd.s32 s6, s11;
	s9 =	sadd.s32 s10, s9  }
0xe: {  	s8 =	sadd.s32 s8, s7;
	[sflag:s31] =	ssyncpa.u1 $0x0;
	s6 =	smul.u32 s6, s9  }
0xf: {  	s7 =	sadd.s32 $0xA00, s8;
	s8 =	sadd.s32 $0x4A00, s8;
	p0 =	por $0x0, $0x0  }
0x10: {  	s11 =	simm.s32 $0x2000;
	s10 =	simm.s32 $0x400;
	s9 =	sadd.s32 $0x1, s6  }
.LBB1_7:
0x11: {  	s16 =	sadd.s32 $0x8, s12  }
0x12: {  	p2 =	sgt.s32 s16, $0xC7  }
0x13: {  	s16 =	smov.u32 @p2 s3;
	p2 =	sne.s32 s13, s9  }
.Ltmp1:
0x14: {  	p1 =	slt.u32 s13, $0x2;
	(pc) =	sbr.rel @!p2 .LBB1_8-.Ltmp1, $4  }
0x15: {  	s14 =	simm.s32 @!p1 $0x2  }
0x16: {  	s17 =	sadd.s32 $0x1, s13;
	s15 =	smov.u32 s12;
	_ =	swait.ge @!p1 [sflag:s14], $0x4000  }
0x17: {  	p0 =	por !p0, !p0;
	s13 =	smov.u32 s17;
	[sflag:s14] =	ssyncset.done @!p1 $0x0  }
0x18: {  	s12 =	smov.u32 s16;
	[sflag:s14] =	ssyncadd.s32 @!p1 $0xFFFFC000;
	s14 =	smov.u32 s4  }
.LBB1_1:
0x19: {  	p1 =	sge.u32 s13, s6  }
0x1a: {  	s16 =	sxor.u32 @!p1 $0xFFFFFFFF, s13  }
0x1b: {  	s17 =	sshll.u32 @!p1 s12, $0xE;
	s19 =	simm.s32 @!p1 $0x40;
	s16 =	sshll.u32 @!p1 s16, $0xE  }
0x1c: {  	s20 =	simm.s32 @!p1 $0x80;
	s18 =	sadd.s32 @!p1 s17, s7;
	s16 =	sand.u32 @!p1 $0x4000, s16  }
0x1d: {  	[tilespmem:s16], [sflag:$0x1] =	stream.strided.gather @!p1 [hbm4b:s18+s19], $0x2000, s20, s19, $0x38;
	[tilespmem:$0x10100] =	vst v63  }
0x1e: {  	s31 =	sadd.s32 $0xFFFFFFFF, s13;
	s17 =	sadd.s32 @!p1 s17, s8;
	s16 =	sor.u32 @!p1 $0x2000, s16  }
0x1f: {  	[tilespmem:s16], [sflag:$0x1] =	stream.strided.gather @!p1 [hbm4b:s17+s19], $0x2000, s20, s19, $0x38;
	[tilespmem:$0x10100] =	vst v63  }
0x20: {  	p1 =	sge.u32 s31, s6  }
.Ltmp2:
0x21: {  	_ = 	snop;
	(pc) =	sbr.rel @p1 .LBB1_7-.Ltmp2, $1  }
0x22: {  	_ =	sdelay $0x3  }
0x23: {  	s16 =	simm.s32 $0x1;
	s18 =	sand.u32 $0x1, s13  }
0x24: {  	_ =	swait.ge [sflag:s5], $0x4000;
	s16 =	simm.s32 @!p0 $0x0;
	s18 =	smul.u32 $0x10200, s18  }
0x25: {  	p2 =	por $0x1, $0x1;
	[sflag:s5] =	ssyncset.done $0x0;
	s17 =	smul.u32 $0x10200, s16  }
0x26: {  	s19 =	sshll.u32 s16, $0x10;
	[sflag:s5] =	ssyncadd.s32 $0xFFFFC000;
	s30 =	sshrl.u32 s18, $0x2  }
0x27: {  	s31 =	sshrl.u32 s19, $0x2;
	s19 =	simm.s32 $0x0;
	s17 =	sshrl.u32 s17, $0x2  }
0x28: {  	s16 =	sor.u32 $0x8000, s30;
	s18 =	sadd.s32 $0x20, s31;
	s17 =	sor.u32 $0x8000, s17  }
.LBB1_3:
0x29: {  	s20 =	sshll.u32 s19, $0xD  }
0x2a: {  	s20 =	sand.u32 $0x3FFFE000, s20  }
0x2b: {  	s22 =	sadd.s32 s20, s18  }
0x2c: {  	s31 =	smul.u32 $0x8100, s19;
	v3 =	vld [tilespmem:s22+$0x10]  }
0x2d: {  	v1 =	vld [tilespmem:s22+$0xFFFFFFF0]  }
0x2e: {  	s19 =	sshra.s32 s31, $0x2;
	v0 =	vld [tilespmem:s22+$0x0]  }
0x2f: {  	s19 =	sadd.s32 s19, s17;
	v2 =	vld [tilespmem:s22+$0xFFFFFFE0]  }
0x30: {  	s20 =	sadd.s32 $0x0, s19  }
0x31: {  	p1 =	por p2, p2;
	s21 =	simm.s32 $0x4;
	s22 =	sadd.s32 $0x40, s22;
	[tilespmem:s20+$0x1830 ss:$0x81] =	vst.msk $0xffff, v3  }
.LBB1_4:
0x32: {  	v3 =	vld [tilespmem:s22+$0x10];
	p2 =	sne.s32 s21, $0x1FC;
	[tilespmem:s20+$0x810 ss:$0x81] =	vst.msk $0xffff, v1;
	s23 =	smov.u32 s21;
	s21 =	sadd.s32 $0x4, s21  }
.Ltmp3:
0x33: {  	v1 =	vld [tilespmem:s22+$0xFFFFFFF0];
	[tilespmem:s20+$0x1020 ss:$0x81] =	vst.msk $0xffff, v0;
	(pc) =	sbr.rel @p2 .LBB1_4-.Ltmp3, $4  }
0x34: {  	v0 =	vld [tilespmem:s22+$0x0];
	[tilespmem:s20+$0x0 ss:$0x81] =	vst.msk $0xffff, v2  }
0x35: {  	s20 =	sshra.s32 s23, $0x2;
	v2 =	vld [tilespmem:s22+$0xFFFFFFE0]  }
0x36: {  	s20 =	sadd.s32 s20, s19  }
0x37: {  	s22 =	sadd.s32 $0x40, s22;
	[tilespmem:s20+$0x1830 ss:$0x81] =	vst.msk $0xffff, v3  }
.Ltmp4:
0x38: {  	(pc) =	sbr.rel @p1 .LBB1_3-.Ltmp4, $4  }
0x39: {  	_ = 	snop  }
0x3a: {  	[tilespmem:s20+$0x810 ss:$0x81] =	vst.msk $0xffff, v1  }
0x3b: {  	[tilespmem:s20+$0x1020 ss:$0x81] =	vst.msk $0xffff, v0  }
0x3c: {  	s19 =	simm.s32 $0x1;
	p2 =	por $0x0, $0x0;
	[tilespmem:s20+$0x0 ss:$0x81] =	vst.msk $0xffff, v2  }
.Ltmp5:
0x3d: {  	(pc) =	sbr.rel .LBB1_7-.Ltmp5, $4  }
0x3e: {  	_ = 	snop  }
0x3f: {  	s15 =	sshll.u32 s15, $0xD;
	s14 =	sadd.s32 s2, s14  }
0x40: {  	s14 =	sadd.s32 s15, s14  }
0x41: {  	[hbm4b:s14+s10] =	stream.strided.scatter [tilespmem:s16], [sflag:$0x2], $0x4000, s11, s10, $0x20;
	[tilespmem:$0x10100] =	vst v63  }
.LBB1_8:
0x42: {  	_ =	sfence.sel $0x180000  }
0x43: {  	s2 =	simm.s32 $0x1;
	[bflag:$0x0] =	sbarrier.arrive $0xFFFF  }
0x44: {  	s31 =	simm.s32 $0x2;
	[sflag:s2] =	ssyncpa.u1 $0x1  }
0x45: {  	[sflag:s31] =	ssyncpa.u1 $0x1  }
0x46: {  	p0 =	sne.s32 s0, $0x0;
	_ =	strace $0x9000004A  }
0x47: {  	s0 =	sadd.s32 @!p0 $0x100000, s1;
	[bflag:$0x2] =	sbarrier.arrive $0xFFFF  }
0x48: {  	[sflag:s0] =	ssyncadd.tile.s32 @!p0 $0x1;
	_ =	shalt  }
.Lfunc_end1:
_tile_overlayer_lowered:
.L_overlay_start_2:
0x49: {  	(tag) =	ssettag $0x2  }
0x4a: {  	s0 =	rddreg [dreg:$0x0];
	s2 =	stileid.u32  }
0x4b: {  	s1 =	rddreg [dreg:$0x1];
	p0 =	sne.s32 s2, $0x0  }
0x4c: {  	s3 =	rddreg [dreg:$0x2];
	[bflag:$0x3] =	sbarrier.arrive $0xFFFF;
	s2 =	simm.s32 @!p0 $0x1C01  }
0x4d: {  	[timem:s3], [sflag:s2] =	dma.local @!p0 [hbm:s0], s1  }
0x4e: {  	s0 =	simm.s32 @!p0 $0x1  }
0x4f: {  	_ =	swait.ge @!p0 [sflag:s0], s1  }
0x50: {  	s1 =	ssub.s32 @!p0 $0x0, s1;
	[sflag:s0] =	ssyncset.done @!p0 $0x0  }
0x51: {  	[sflag:s0] =	ssyncadd.s32 @!p0 s1  }
0x52: {  	[bflag:$0x3] =	sbarrier.arrive $0xFFFF  }
0x53: {  	_ =	shalt  }

</sc_bundles>
